<compile_context>
chip_gen: v7x
topology: tpu7x:2x2x1
jax: 0.10.2.dev20260603
libtpu: 0.0.44.dev20260713+nightly
codegen_flags: <defaults>
</compile_context>

<pallas_src>
import jax
import jax.numpy as jnp
from jax import lax
from jax.experimental import pallas as pl
from jax.experimental.pallas import tpu as pltpu
from jax.experimental.pallas import tpu_sc as plsc

BATCH = 16384
HIST = 200
TABLE_PAD = 1024

NC = 2
NS = 16
LANES = 16
NW = NC * NS

ROWS_PER_W = BATCH // NW
CHUNK_ROWS = 128
NCHUNKS = ROWS_PER_W // CHUNK_ROWS

WINDOWS = tuple(range(0, HIST - LANES + 1, LANES)) + (HIST - LANES,)
OVERLAP = LANES * (len(WINDOWS) - 1) - (HIST - LANES)


def _sc_kernel(rules_hbm, table_hbm, bias_hbm, out_hbm,
               table_v, bias_v, buf0, buf1, out_v, sem0, sem1):
    wid = lax.axis_index("s") * NC + lax.axis_index("c")
    row_base = wid * ROWS_PER_W

    pltpu.sync_copy(table_hbm, table_v)
    pltpu.sync_copy(bias_hbm, bias_v)

    bufs = (buf0, buf1)
    sems = (sem0, sem1)

    def start(c):
        pltpu.async_copy(
            rules_hbm.at[pl.ds(row_base + c * CHUNK_ROWS, CHUNK_ROWS), :],
            bufs[c % 2], sems[c % 2])

    start(0)

    lane_iota = lax.iota(jnp.int32, LANES)
    tail_mask = lane_iota >= OVERLAP
    last_lane = lane_iota == LANES - 1
    fzero = jnp.zeros((LANES,), jnp.float32)

    for c in range(NCHUNKS):
        buf = bufs[c % 2]
        pltpu.make_async_copy(
            rules_hbm.at[pl.ds(row_base + c * CHUNK_ROWS, CHUNK_ROWS), :],
            buf, sems[c % 2]).wait()
        if c + 1 < NCHUNKS:
            start(c + 1)

        out_base = jnp.full((LANES,), c * CHUNK_ROWS, jnp.int32)

        @plsc.parallel_loop(0, CHUNK_ROWS, 1, unroll=2)
        def row_body(r):
            vals = []
            for w in WINDOWS[:-1]:
                idx = buf[r, pl.ds(w, LANES)]
                vals.append(plsc.load_gather(table_v, [idx]))
            idx = buf[r, pl.ds(WINDOWS[-1], LANES)]
            v = plsc.load_gather(table_v, [idx])
            vals.append(jnp.where(tail_mask, v, fzero))
            while len(vals) > 1:
                nxt = [a + b for a, b in zip(vals[::2], vals[1::2])]
                if len(vals) % 2:
                    nxt.append(vals[-1])
                vals = nxt
            total = plsc.cumsum(vals[0]) + bias_v[...]
            plsc.store_scatter(out_v, [out_base + r], total, mask=last_lane)

    pltpu.sync_copy(out_v, out_hbm.at[pl.ds(row_base, ROWS_PER_W)])


@jax.jit
def _run(rules, table_pad, bias16):
    mesh = plsc.VectorSubcoreMesh(
        core_axis_name="c", subcore_axis_name="s",
        num_cores=NC, num_subcores=NS)
    f = pl.kernel(
        _sc_kernel,
        out_type=jax.ShapeDtypeStruct((BATCH,), jnp.float32),
        mesh=mesh,
        scratch_types=[
            pltpu.VMEM((TABLE_PAD,), jnp.float32),
            pltpu.VMEM((LANES,), jnp.float32),
            pltpu.VMEM((CHUNK_ROWS, HIST), jnp.int32),
            pltpu.VMEM((CHUNK_ROWS, HIST), jnp.int32),
            pltpu.VMEM((ROWS_PER_W,), jnp.float32),
            pltpu.SemaphoreType.DMA,
            pltpu.SemaphoreType.DMA,
        ],
        compiler_params=pltpu.CompilerParams(
            needs_layout_passes=False, use_tc_tiling_on_sc=True),
    )
    return f(rules, table_pad, bias16)


def kernel(rules, weight, bias):
    table_pad = jnp.pad(weight.reshape(-1), (0, TABLE_PAD - weight.shape[0]))
    bias16 = jnp.broadcast_to(bias.reshape(1), (LANES,))
    out = _run(rules, table_pad, bias16)
    return out.reshape(BATCH, 1)

# --- scband reference (transcript-rebuilt; emitter-appended) ---
"""Pipeline reference for scband-linear-aggregator-85255100826364 (READ-ONLY COPY).

The authoritative reference and input builder live on the scoring server;
editing this copy changes nothing except your own understanding.
"""

import jax, jax.numpy as jnp
import numpy as np

NUM_RULES = 1000
PAD = 1000  # pad_tok == num_rules; embedding table has NUM_RULES+1 rows, last is padding
BATCH = 16384
HIST = 200


def setup_inputs(seed: int = 0) -> dict:
    key = jax.random.key(seed)
    k1, k2, k3 = jax.random.split(key, 3)
    rules = jax.random.randint(k1, (BATCH, HIST), 0, NUM_RULES + 1)
    # embedding weights: first NUM_RULES rows = init_confs, padding row = 0
    init_confs = jax.random.normal(k2, (NUM_RULES, 1), dtype=jnp.float32) * 0.1
    weight = jnp.concatenate([init_confs, jnp.zeros((1, 1), dtype=jnp.float32)], axis=0)
    fan_in = NUM_RULES
    bound = 1.0 / np.sqrt(fan_in)
    bias = jax.random.uniform(k3, (1, 1), minval=-bound, maxval=bound, dtype=jnp.float32)
    return {"rules": rules, "weight": weight, "bias": bias}


def reference(rules, weight, bias):
    # mask positions equal to padding idx
    mask = rules == PAD
    # embedding lookup: gather rows of the (NUM_RULES+1, 1) table -> [B, L, 1]
    x = jnp.take(weight, rules, axis=0)
    # masked_fill_(mask.unsqueeze(2), 0.0)
    x = jnp.where(mask[..., None], 0.0, x)
    # sign_constraint == False, so no squaring
    return x.sum(axis=1) + bias  # [B, 1]

if __name__ == "__main__":
    import jax
    _d = setup_inputs()
    print(jax.jit(kernel)(*tuple(_d.values())))

</pallas_src>

<mosaic_0001>
#map = affine_map<(d0, d1) -> (0, 0)>
#map1 = affine_map<(d0, d1) -> (0)>
module attributes {stable_mosaic.version = 14 : i64} {
  func.func @_sc_kernel(%arg0: i32, %arg1: i32, %arg2: memref<16384x200xi32, #tpu.memory_space<hbm>>, %arg3: memref<1024xf32, #tpu.memory_space<hbm>>, %arg4: memref<16xf32, #tpu.memory_space<hbm>>, %arg5: memref<16384xf32, #tpu.memory_space<hbm>>, %arg6: memref<1024xf32, #tpu.memory_space<vmem>>, %arg7: memref<16xf32, #tpu.memory_space<vmem>>, %arg8: memref<128x200xi32, #tpu.memory_space<vmem>>, %arg9: memref<128x200xi32, #tpu.memory_space<vmem>>, %arg10: memref<512xf32, #tpu.memory_space<vmem>>, %arg11: memref<!tpu.dma_semaphore, #tpu.memory_space<semaphore_mem>>, %arg12: memref<!tpu.dma_semaphore, #tpu.memory_space<semaphore_mem>>) attributes {dimension_semantics = [#tpu.dimension_semantics<core_parallel>, #tpu.dimension_semantics<subcore_parallel>], iteration_bounds = array<i64: 2, 16>, scalar_prefetch = 0 : i64, scratch_operands = 7 : i64, tpu.core_type = #tpu.core_type<sc_vector_subcore>, window_params = [{transform_indices = #map}, {transform_indices = #map1}, {transform_indices = #map1}, {transform_indices = #map1}]} {
    %mul3A = arith.constant 2 : i32
    %mul3A_0 = arith.muli %arg1, %mul3A : i32
    %add3A = arith.addi %mul3A_0, %arg0 : i32
    %mul3A_1 = arith.constant 512 : i32
    %mul3A_2 = arith.muli %add3A, %mul3A_1 : i32
    "tpu.region"() ({
      %run_scoped3A = tpu.sem_alloc : memref<!tpu.dma_semaphore, #tpu.memory_space<semaphore_mem>>
      tpu.enqueue_dma source(%arg3 : memref<1024xf32, #tpu.memory_space<hbm>>) target(%arg6 : memref<1024xf32, #tpu.memory_space<vmem>>) target_semaphore(%run_scoped3A : memref<!tpu.dma_semaphore, #tpu.memory_space<semaphore_mem>>)
      tpu.wait_dma2 semaphore(%run_scoped3A : memref<!tpu.dma_semaphore, #tpu.memory_space<semaphore_mem>>) src(%arg3 : memref<1024xf32, #tpu.memory_space<hbm>>) dst(%arg6 : memref<1024xf32, #tpu.memory_space<vmem>>)
      tpu.yield
    }) : () -> ()
    "tpu.region"() ({
      %run_scoped3A = tpu.sem_alloc : memref<!tpu.dma_semaphore, #tpu.memory_space<semaphore_mem>>
      tpu.enqueue_dma source(%arg4 : memref<16xf32, #tpu.memory_space<hbm>>) target(%arg7 : memref<16xf32, #tpu.memory_space<vmem>>) target_semaphore(%run_scoped3A : memref<!tpu.dma_semaphore, #tpu.memory_space<semaphore_mem>>)
      tpu.wait_dma2 semaphore(%run_scoped3A : memref<!tpu.dma_semaphore, #tpu.memory_space<semaphore_mem>>) src(%arg4 : memref<16xf32, #tpu.memory_space<hbm>>) dst(%arg7 : memref<16xf32, #tpu.memory_space<vmem>>)
      tpu.yield
    }) : () -> ()
    %add3A_3 = arith.constant 0 : i32
    %add3A_4 = arith.addi %mul3A_2, %add3A_3 : i32
    %dma_start3A = arith.constant 0 : i32
    %dma_start3A_5 = tpu.memref_slice %arg2[%add3A_4, %dma_start3A] : memref<16384x200xi32, #tpu.memory_space<hbm>> -> memref<128x200xi32, #tpu.memory_space<hbm>>
    %dma_start3A_6 = arith.constant 0 : i32
    %dma_start3A_7 = tpu.memref_slice %arg2[%add3A_4, %dma_start3A_6] : memref<16384x200xi32, #tpu.memory_space<hbm>> -> memref<128x200xi32, #tpu.memory_space<hbm>>
    tpu.enqueue_dma source(%dma_start3A_7 : memref<128x200xi32, #tpu.memory_space<hbm>>) target(%arg8 : memref<128x200xi32, #tpu.memory_space<vmem>>) target_semaphore(%arg11 : memref<!tpu.dma_semaphore, #tpu.memory_space<semaphore_mem>>)
    %iota3A = tpu.iota {dimensions = array<i32: 0>} : vector<16xi32>
    %ge3A = arith.constant 8 : i32
    %ge3A_8 = vector.broadcast %ge3A : i32 to vector<16xi32>
    %ge3A_9 = arith.cmpi sge, %iota3A, %ge3A_8 : vector<16xi32>
    %eq3A = arith.constant 15 : i32
    %eq3A_10 = vector.broadcast %eq3A : i32 to vector<16xi32>
    %eq3A_11 = arith.cmpi eq, %iota3A, %eq3A_10 : vector<16xi32>
    %broadcast_in_dim3A = arith.constant 0.000000e+00 : f32
    %broadcast_in_dim3A_12 = vector.broadcast %broadcast_in_dim3A : f32 to vector<16xf32>
    %add3A_13 = arith.constant 0 : i32
    %add3A_14 = arith.addi %mul3A_2, %add3A_13 : i32
    %dma_wait3A = arith.constant 0 : i32
    %dma_wait3A_15 = tpu.memref_slice %arg2[%add3A_14, %dma_wait3A] : memref<16384x200xi32, #tpu.memory_space<hbm>> -> memref<128x200xi32, #tpu.memory_space<hbm>>
    %dma_wait3A_16 = arith.constant 0 : i32
    %dma_wait3A_17 = tpu.memref_slice %arg2[%add3A_14, %dma_wait3A_16] : memref<16384x200xi32, #tpu.memory_space<hbm>> -> memref<128x200xi32, #tpu.memory_space<hbm>>
    tpu.wait_dma2 semaphore(%arg11 : memref<!tpu.dma_semaphore, #tpu.memory_space<semaphore_mem>>) src(%dma_wait3A_17 : memref<128x200xi32, #tpu.memory_space<hbm>>) dst(%arg8 : memref<128x200xi32, #tpu.memory_space<vmem>>)
    %add3A_18 = arith.constant 128 : i32
    %add3A_19 = arith.addi %mul3A_2, %add3A_18 : i32
    %dma_start3A_20 = arith.constant 0 : i32
    %dma_start3A_21 = tpu.memref_slice %arg2[%add3A_19, %dma_start3A_20] : memref<16384x200xi32, #tpu.memory_space<hbm>> -> memref<128x200xi32, #tpu.memory_space<hbm>>
    %dma_start3A_22 = arith.constant 0 : i32
    %dma_start3A_23 = tpu.memref_slice %arg2[%add3A_19, %dma_start3A_22] : memref<16384x200xi32, #tpu.memory_space<hbm>> -> memref<128x200xi32, #tpu.memory_space<hbm>>
    tpu.enqueue_dma source(%dma_start3A_23 : memref<128x200xi32, #tpu.memory_space<hbm>>) target(%arg9 : memref<128x200xi32, #tpu.memory_space<vmem>>) target_semaphore(%arg12 : memref<!tpu.dma_semaphore, #tpu.memory_space<semaphore_mem>>)
    %broadcast_in_dim3A_24 = arith.constant 0 : i32
    %broadcast_in_dim3A_25 = vector.broadcast %broadcast_in_dim3A_24 : i32 to vector<16xi32>
    %parallel_loop3A = arith.constant 0 : i32
    %parallel_loop3A_26 = arith.constant 128 : i32
    %parallel_loop3A_27 = arith.constant 1 : i32
    scf.for %parallel_loop3A_73 = %parallel_loop3A to %parallel_loop3A_26 step %parallel_loop3A_27  : i32 {
      %parallel_loop3A_74 = arith.index_cast %parallel_loop3A_73 : i32 to index
      %parallel_loop3A_75 = arith.constant 0 : index
      %parallel_loop3A_76 = tpu.vector_load %arg8[%parallel_loop3A_74, %parallel_loop3A_75] {strides = array<i32>} : memref<128x200xi32, #tpu.memory_space<vmem>>, vector<16xi32>,
      %parallel_loop3A_77 = tpu.vector_load_idx %arg6[%parallel_loop3A_76] : memref<1024xf32, #tpu.memory_space<vmem>>[vector<16xi32>], vector<16xf32>,
      %parallel_loop3A_78 = arith.index_cast %parallel_loop3A_73 : i32 to index
      %parallel_loop3A_79 = arith.constant 16 : index
      %parallel_loop3A_80 = tpu.vector_load %arg8[%parallel_loop3A_78, %parallel_loop3A_79] {strides = array<i32>} : memref<128x200xi32, #tpu.memory_space<vmem>>, vector<16xi32>,
      %parallel_loop3A_81 = tpu.vector_load_idx %arg6[%parallel_loop3A_80] : memref<1024xf32, #tpu.memory_space<vmem>>[vector<16xi32>], vector<16xf32>,
      %parallel_loop3A_82 = arith.index_cast %parallel_loop3A_73 : i32 to index
      %parallel_loop3A_83 = arith.constant 32 : index
      %parallel_loop3A_84 = tpu.vector_load %arg8[%parallel_loop3A_82, %parallel_loop3A_83] {strides = array<i32>} : memref<128x200xi32, #tpu.memory_space<vmem>>, vector<16xi32>,
      %parallel_loop3A_85 = tpu.vector_load_idx %arg6[%parallel_loop3A_84] : memref<1024xf32, #tpu.memory_space<vmem>>[vector<16xi32>], vector<16xf32>,
      %parallel_loop3A_86 = arith.index_cast %parallel_loop3A_73 : i32 to index
      %parallel_loop3A_87 = arith.constant 48 : index
      %parallel_loop3A_88 = tpu.vector_load %arg8[%parallel_loop3A_86, %parallel_loop3A_87] {strides = array<i32>} : memref<128x200xi32, #tpu.memory_space<vmem>>, vector<16xi32>,
      %parallel_loop3A_89 = tpu.vector_load_idx %arg6[%parallel_loop3A_88] : memref<1024xf32, #tpu.memory_space<vmem>>[vector<16xi32>], vector<16xf32>,
      %parallel_loop3A_90 = arith.index_cast %parallel_loop3A_73 : i32 to index
      %parallel_loop3A_91 = arith.constant 64 : index
      %parallel_loop3A_92 = tpu.vector_load %arg8[%parallel_loop3A_90, %parallel_loop3A_91] {strides = array<i32>} : memref<128x200xi32, #tpu.memory_space<vmem>>, vector<16xi32>,
      %parallel_loop3A_93 = tpu.vector_load_idx %arg6[%parallel_loop3A_92] : memref<1024xf32, #tpu.memory_space<vmem>>[vector<16xi32>], vector<16xf32>,
      %parallel_loop3A_94 = arith.index_cast %parallel_loop3A_73 : i32 to index
      %parallel_loop3A_95 = arith.constant 80 : index
      %parallel_loop3A_96 = tpu.vector_load %arg8[%parallel_loop3A_94, %parallel_loop3A_95] {strides = array<i32>} : memref<128x200xi32, #tpu.memory_space<vmem>>, vector<16xi32>,
      %parallel_loop3A_97 = tpu.vector_load_idx %arg6[%parallel_loop3A_96] : memref<1024xf32, #tpu.memory_space<vmem>>[vector<16xi32>], vector<16xf32>,
      %parallel_loop3A_98 = arith.index_cast %parallel_loop3A_73 : i32 to index
      %parallel_loop3A_99 = arith.constant 96 : index
      %parallel_loop3A_100 = tpu.vector_load %arg8[%parallel_loop3A_98, %parallel_loop3A_99] {strides = array<i32>} : memref<128x200xi32, #tpu.memory_space<vmem>>, vector<16xi32>,
      %parallel_loop3A_101 = tpu.vector_load_idx %arg6[%parallel_loop3A_100] : memref<1024xf32, #tpu.memory_space<vmem>>[vector<16xi32>], vector<16xf32>,
      %parallel_loop3A_102 = arith.index_cast %parallel_loop3A_73 : i32 to index
      %parallel_loop3A_103 = arith.constant 112 : index
      %parallel_loop3A_104 = tpu.vector_load %arg8[%parallel_loop3A_102, %parallel_loop3A_103] {strides = array<i32>} : memref<128x200xi32, #tpu.memory_space<vmem>>, vector<16xi32>,
      %parallel_loop3A_105 = tpu.vector_load_idx %arg6[%parallel_loop3A_104] : memref<1024xf32, #tpu.memory_space<vmem>>[vector<16xi32>], vector<16xf32>,
      %parallel_loop3A_106 = arith.index_cast %parallel_loop3A_73 : i32 to index
      %parallel_loop3A_107 = arith.constant 128 : index
      %parallel_loop3A_108 = tpu.vector_load %arg8[%parallel_loop3A_106, %parallel_loop3A_107] {strides = array<i32>} : memref<128x200xi32, #tpu.memory_space<vmem>>, vector<16xi32>,
      %parallel_loop3A_109 = tpu.vector_load_idx %arg6[%parallel_loop3A_108] : memref<1024xf32, #tpu.memory_space<vmem>>[vector<16xi32>], vector<16xf32>,
      %parallel_loop3A_110 = arith.index_cast %parallel_loop3A_73 : i32 to index
      %parallel_loop3A_111 = arith.constant 144 : index
      %parallel_loop3A_112 = tpu.vector_load %arg8[%parallel_loop3A_110, %parallel_loop3A_111] {strides = array<i32>} : memref<128x200xi32, #tpu.memory_space<vmem>>, vector<16xi32>,
      %parallel_loop3A_113 = tpu.vector_load_idx %arg6[%parallel_loop3A_112] : memref<1024xf32, #tpu.memory_space<vmem>>[vector<16xi32>], vector<16xf32>,
      %parallel_loop3A_114 = arith.index_cast %parallel_loop3A_73 : i32 to index
      %parallel_loop3A_115 = arith.constant 160 : index
      %parallel_loop3A_116 = tpu.vector_load %arg8[%parallel_loop3A_114, %parallel_loop3A_115] {strides = array<i32>} : memref<128x200xi32, #tpu.memory_space<vmem>>, vector<16xi32>,
      %parallel_loop3A_117 = tpu.vector_load_idx %arg6[%parallel_loop3A_116] : memref<1024xf32, #tpu.memory_space<vmem>>[vector<16xi32>], vector<16xf32>,
      %parallel_loop3A_118 = arith.index_cast %parallel_loop3A_73 : i32 to index
      %parallel_loop3A_119 = arith.constant 176 : index
      %parallel_loop3A_120 = tpu.vector_load %arg8[%parallel_loop3A_118, %parallel_loop3A_119] {strides = array<i32>} : memref<128x200xi32, #tpu.memory_space<vmem>>, vector<16xi32>,
      %parallel_loop3A_121 = tpu.vector_load_idx %arg6[%parallel_loop3A_120] : memref<1024xf32, #tpu.memory_space<vmem>>[vector<16xi32>], vector<16xf32>,
      %parallel_loop3A_122 = arith.index_cast %parallel_loop3A_73 : i32 to index
      %parallel_loop3A_123 = arith.constant 184 : index
      %parallel_loop3A_124 = tpu.vector_load %arg8[%parallel_loop3A_122, %parallel_loop3A_123] {strides = array<i32>} : memref<128x200xi32, #tpu.memory_space<vmem>>, vector<16xi32>,
      %parallel_loop3A_125 = tpu.vector_load_idx %arg6[%parallel_loop3A_124] : memref<1024xf32, #tpu.memory_space<vmem>>[vector<16xi32>], vector<16xf32>,
      %parallel_loop3A_126 = arith.select %ge3A_9, %parallel_loop3A_125, %broadcast_in_dim3A_12 : vector<16xi1>, vector<16xf32>
      %parallel_loop3A_127 = arith.addf %parallel_loop3A_77, %parallel_loop3A_81 : vector<16xf32>
      %parallel_loop3A_128 = arith.addf %parallel_loop3A_85, %parallel_loop3A_89 : vector<16xf32>
      %parallel_loop3A_129 = arith.addf %parallel_loop3A_93, %parallel_loop3A_97 : vector<16xf32>
      %parallel_loop3A_130 = arith.addf %parallel_loop3A_101, %parallel_loop3A_105 : vector<16xf32>
      %parallel_loop3A_131 = arith.addf %parallel_loop3A_109, %parallel_loop3A_113 : vector<16xf32>
      %parallel_loop3A_132 = arith.addf %parallel_loop3A_117, %parallel_loop3A_121 : vector<16xf32>
      %parallel_loop3A_133 = arith.addf %parallel_loop3A_127, %parallel_loop3A_128 : vector<16xf32>
      %parallel_loop3A_134 = arith.addf %parallel_loop3A_129, %parallel_loop3A_130 : vector<16xf32>
      %parallel_loop3A_135 = arith.addf %parallel_loop3A_131, %parallel_loop3A_132 : vector<16xf32>
      %parallel_loop3A_136 = arith.addf %parallel_loop3A_133, %parallel_loop3A_134 : vector<16xf32>
      %parallel_loop3A_137 = arith.addf %parallel_loop3A_135, %parallel_loop3A_126 : vector<16xf32>
      %parallel_loop3A_138 = arith.addf %parallel_loop3A_136, %parallel_loop3A_137 : vector<16xf32>
      %parallel_loop3A_139 = arith.constant true
      %parallel_loop3A_140 = vector.broadcast %parallel_loop3A_139 : i1 to vector<16xi1>
      %parallel_loop3A_141 = tpu.scan <sum>, %parallel_loop3A_138 masked %parallel_loop3A_140 : vector<16xf32>, vector<16xi1> -> vector<16xf32>
      %parallel_loop3A_142 = arith.constant 0 : index
      %parallel_loop3A_143 = tpu.vector_load %arg7[%parallel_loop3A_142] {strides = array<i32>} : memref<16xf32, #tpu.memory_space<vmem>>, vector<16xf32>,
      %parallel_loop3A_144 = arith.addf %parallel_loop3A_141, %parallel_loop3A_143 : vector<16xf32>
      %parallel_loop3A_145 = vector.broadcast %parallel_loop3A_73 : i32 to vector<16xi32>
      %parallel_loop3A_146 = arith.addi %broadcast_in_dim3A_25, %parallel_loop3A_145 : vector<16xi32>
      tpu.vector_store_idx %arg10[%parallel_loop3A_146], %parallel_loop3A_144 masked %eq3A_11 : memref<512xf32, #tpu.memory_space<vmem>>[vector<16xi32>], vector<16xf32>, vector<16xi1>
    } {sc.loop_unroll_factor = 2 : i64, sc.parallel_access}
    %add3A_28 = arith.constant 128 : i32
    %add3A_29 = arith.addi %mul3A_2, %add3A_28 : i32
    %dma_wait3A_30 = arith.constant 0 : i32
    %dma_wait3A_31 = tpu.memref_slice %arg2[%add3A_29, %dma_wait3A_30] : memref<16384x200xi32, #tpu.memory_space<hbm>> -> memref<128x200xi32, #tpu.memory_space<hbm>>
    %dma_wait3A_32 = arith.constant 0 : i32
    %dma_wait3A_33 = tpu.memref_slice %arg2[%add3A_29, %dma_wait3A_32] : memref<16384x200xi32, #tpu.memory_space<hbm>> -> memref<128x200xi32, #tpu.memory_space<hbm>>
    tpu.wait_dma2 semaphore(%arg12 : memref<!tpu.dma_semaphore, #tpu.memory_space<semaphore_mem>>) src(%dma_wait3A_33 : memref<128x200xi32, #tpu.memory_space<hbm>>) dst(%arg9 : memref<128x200xi32, #tpu.memory_space<vmem>>)
    %add3A_34 = arith.constant 256 : i32
    %add3A_35 = arith.addi %mul3A_2, %add3A_34 : i32
    %dma_start3A_36 = arith.constant 0 : i32
    %dma_start3A_37 = tpu.memref_slice %arg2[%add3A_35, %dma_start3A_36] : memref<16384x200xi32, #tpu.memory_space<hbm>> -> memref<128x200xi32, #tpu.memory_space<hbm>>
    %dma_start3A_38 = arith.constant 0 : i32
    %dma_start3A_39 = tpu.memref_slice %arg2[%add3A_35, %dma_start3A_38] : memref<16384x200xi32, #tpu.memory_space<hbm>> -> memref<128x200xi32, #tpu.memory_space<hbm>>
    tpu.enqueue_dma source(%dma_start3A_39 : memref<128x200xi32, #tpu.memory_space<hbm>>) target(%arg8 : memref<128x200xi32, #tpu.memory_space<vmem>>) target_semaphore(%arg11 : memref<!tpu.dma_semaphore, #tpu.memory_space<semaphore_mem>>)
    %broadcast_in_dim3A_40 = arith.constant 128 : i32
    %broadcast_in_dim3A_41 = vector.broadcast %broadcast_in_dim3A_40 : i32 to vector<16xi32>
    %parallel_loop3A_42 = arith.constant 0 : i32
    %parallel_loop3A_43 = arith.constant 128 : i32
    %parallel_loop3A_44 = arith.constant 1 : i32
    scf.for %parallel_loop3A_73 = %parallel_loop3A_42 to %parallel_loop3A_43 step %parallel_loop3A_44  : i32 {
      %parallel_loop3A_74 = arith.index_cast %parallel_loop3A_73 : i32 to index
      %parallel_loop3A_75 = arith.constant 0 : index
      %parallel_loop3A_76 = tpu.vector_load %arg9[%parallel_loop3A_74, %parallel_loop3A_75] {strides = array<i32>} : memref<128x200xi32, #tpu.memory_space<vmem>>, vector<16xi32>,
      %parallel_loop3A_77 = tpu.vector_load_idx %arg6[%parallel_loop3A_76] : memref<1024xf32, #tpu.memory_space<vmem>>[vector<16xi32>], vector<16xf32>,
      %parallel_loop3A_78 = arith.index_cast %parallel_loop3A_73 : i32 to index
      %parallel_loop3A_79 = arith.constant 16 : index
      %parallel_loop3A_80 = tpu.vector_load %arg9[%parallel_loop3A_78, %parallel_loop3A_79] {strides = array<i32>} : memref<128x200xi32, #tpu.memory_space<vmem>>, vector<16xi32>,
      %parallel_loop3A_81 = tpu.vector_load_idx %arg6[%parallel_loop3A_80] : memref<1024xf32, #tpu.memory_space<vmem>>[vector<16xi32>], vector<16xf32>,
      %parallel_loop3A_82 = arith.index_cast %parallel_loop3A_73 : i32 to index
      %parallel_loop3A_83 = arith.constant 32 : index
      %parallel_loop3A_84 = tpu.vector_load %arg9[%parallel_loop3A_82, %parallel_loop3A_83] {strides = array<i32>} : memref<128x200xi32, #tpu.memory_space<vmem>>, vector<16xi32>,
      %parallel_loop3A_85 = tpu.vector_load_idx %arg6[%parallel_loop3A_84] : memref<1024xf32, #tpu.memory_space<vmem>>[vector<16xi32>], vector<16xf32>,
      %parallel_loop3A_86 = arith.index_cast %parallel_loop3A_73 : i32 to index
      %parallel_loop3A_87 = arith.constant 48 : index
      %parallel_loop3A_88 = tpu.vector_load %arg9[%parallel_loop3A_86, %parallel_loop3A_87] {strides = array<i32>} : memref<128x200xi32, #tpu.memory_space<vmem>>, vector<16xi32>,
      %parallel_loop3A_89 = tpu.vector_load_idx %arg6[%parallel_loop3A_88] : memref<1024xf32, #tpu.memory_space<vmem>>[vector<16xi32>], vector<16xf32>,
      %parallel_loop3A_90 = arith.index_cast %parallel_loop3A_73 : i32 to index
      %parallel_loop3A_91 = arith.constant 64 : index
      %parallel_loop3A_92 = tpu.vector_load %arg9[%parallel_loop3A_90, %parallel_loop3A_91] {strides = array<i32>} : memref<128x200xi32, #tpu.memory_space<vmem>>, vector<16xi32>,
      %parallel_loop3A_93 = tpu.vector_load_idx %arg6[%parallel_loop3A_92] : memref<1024xf32, #tpu.memory_space<vmem>>[vector<16xi32>], vector<16xf32>,
      %parallel_loop3A_94 = arith.index_cast %parallel_loop3A_73 : i32 to index
      %parallel_loop3A_95 = arith.constant 80 : index
      %parallel_loop3A_96 = tpu.vector_load %arg9[%parallel_loop3A_94, %parallel_loop3A_95] {strides = array<i32>} : memref<128x200xi32, #tpu.memory_space<vmem>>, vector<16xi32>,
      %parallel_loop3A_97 = tpu.vector_load_idx %arg6[%parallel_loop3A_96] : memref<1024xf32, #tpu.memory_space<vmem>>[vector<16xi32>], vector<16xf32>,
      %parallel_loop3A_98 = arith.index_cast %parallel_loop3A_73 : i32 to index
      %parallel_loop3A_99 = arith.constant 96 : index
      %parallel_loop3A_100 = tpu.vector_load %arg9[%parallel_loop3A_98, %parallel_loop3A_99] {strides = array<i32>} : memref<128x200xi32, #tpu.memory_space<vmem>>, vector<16xi32>,
      %parallel_loop3A_101 = tpu.vector_load_idx %arg6[%parallel_loop3A_100] : memref<1024xf32, #tpu.memory_space<vmem>>[vector<16xi32>], vector<16xf32>,
      %parallel_loop3A_102 = arith.index_cast %parallel_loop3A_73 : i32 to index
      %parallel_loop3A_103 = arith.constant 112 : index
      %parallel_loop3A_104 = tpu.vector_load %arg9[%parallel_loop3A_102, %parallel_loop3A_103] {strides = array<i32>} : memref<128x200xi32, #tpu.memory_space<vmem>>, vector<16xi32>,
      %parallel_loop3A_105 = tpu.vector_load_idx %arg6[%parallel_loop3A_104] : memref<1024xf32, #tpu.memory_space<vmem>>[vector<16xi32>], vector<16xf32>,
      %parallel_loop3A_106 = arith.index_cast %parallel_loop3A_73 : i32 to index
      %parallel_loop3A_107 = arith.constant 128 : index
      %parallel_loop3A_108 = tpu.vector_load %arg9[%parallel_loop3A_106, %parallel_loop3A_107] {strides = array<i32>} : memref<128x200xi32, #tpu.memory_space<vmem>>, vector<16xi32>,
      %parallel_loop3A_109 = tpu.vector_load_idx %arg6[%parallel_loop3A_108] : memref<1024xf32, #tpu.memory_space<vmem>>[vector<16xi32>], vector<16xf32>,
      %parallel_loop3A_110 = arith.index_cast %parallel_loop3A_73 : i32 to index
      %parallel_loop3A_111 = arith.constant 144 : index
      %parallel_loop3A_112 = tpu.vector_load %arg9[%parallel_loop3A_110, %parallel_loop3A_111] {strides = array<i32>} : memref<128x200xi32, #tpu.memory_space<vmem>>, vector<16xi32>,
      %parallel_loop3A_113 = tpu.vector_load_idx %arg6[%parallel_loop3A_112] : memref<1024xf32, #tpu.memory_space<vmem>>[vector<16xi32>], vector<16xf32>,
      %parallel_loop3A_114 = arith.index_cast %parallel_loop3A_73 : i32 to index
      %parallel_loop3A_115 = arith.constant 160 : index
      %parallel_loop3A_116 = tpu.vector_load %arg9[%parallel_loop3A_114, %parallel_loop3A_115] {strides = array<i32>} : memref<128x200xi32, #tpu.memory_space<vmem>>, vector<16xi32>,
      %parallel_loop3A_117 = tpu.vector_load_idx %arg6[%parallel_loop3A_116] : memref<1024xf32, #tpu.memory_space<vmem>>[vector<16xi32>], vector<16xf32>,
      %parallel_loop3A_118 = arith.index_cast %parallel_loop3A_73 : i32 to index
      %parallel_loop3A_119 = arith.constant 176 : index
      %parallel_loop3A_120 = tpu.vector_load %arg9[%parallel_loop3A_118, %parallel_loop3A_119] {strides = array<i32>} : memref<128x200xi32, #tpu.memory_space<vmem>>, vector<16xi32>,
      %parallel_loop3A_121 = tpu.vector_load_idx %arg6[%parallel_loop3A_120] : memref<1024xf32, #tpu.memory_space<vmem>>[vector<16xi32>], vector<16xf32>,
      %parallel_loop3A_122 = arith.index_cast %parallel_loop3A_73 : i32 to index
      %parallel_loop3A_123 = arith.constant 184 : index
      %parallel_loop3A_124 = tpu.vector_load %arg9[%parallel_loop3A_122, %parallel_loop3A_123] {strides = array<i32>} : memref<128x200xi32, #tpu.memory_space<vmem>>, vector<16xi32>,
      %parallel_loop3A_125 = tpu.vector_load_idx %arg6[%parallel_loop3A_124] : memref<1024xf32, #tpu.memory_space<vmem>>[vector<16xi32>], vector<16xf32>,
      %parallel_loop3A_126 = arith.select %ge3A_9, %parallel_loop3A_125, %broadcast_in_dim3A_12 : vector<16xi1>, vector<16xf32>
      %parallel_loop3A_127 = arith.addf %parallel_loop3A_77, %parallel_loop3A_81 : vector<16xf32>
      %parallel_loop3A_128 = arith.addf %parallel_loop3A_85, %parallel_loop3A_89 : vector<16xf32>
      %parallel_loop3A_129 = arith.addf %parallel_loop3A_93, %parallel_loop3A_97 : vector<16xf32>
      %parallel_loop3A_130 = arith.addf %parallel_loop3A_101, %parallel_loop3A_105 : vector<16xf32>
      %parallel_loop3A_131 = arith.addf %parallel_loop3A_109, %parallel_loop3A_113 : vector<16xf32>
      %parallel_loop3A_132 = arith.addf %parallel_loop3A_117, %parallel_loop3A_121 : vector<16xf32>
      %parallel_loop3A_133 = arith.addf %parallel_loop3A_127, %parallel_loop3A_128 : vector<16xf32>
      %parallel_loop3A_134 = arith.addf %parallel_loop3A_129, %parallel_loop3A_130 : vector<16xf32>
      %parallel_loop3A_135 = arith.addf %parallel_loop3A_131, %parallel_loop3A_132 : vector<16xf32>
      %parallel_loop3A_136 = arith.addf %parallel_loop3A_133, %parallel_loop3A_134 : vector<16xf32>
      %parallel_loop3A_137 = arith.addf %parallel_loop3A_135, %parallel_loop3A_126 : vector<16xf32>
      %parallel_loop3A_138 = arith.addf %parallel_loop3A_136, %parallel_loop3A_137 : vector<16xf32>
      %parallel_loop3A_139 = arith.constant true
      %parallel_loop3A_140 = vector.broadcast %parallel_loop3A_139 : i1 to vector<16xi1>
      %parallel_loop3A_141 = tpu.scan <sum>, %parallel_loop3A_138 masked %parallel_loop3A_140 : vector<16xf32>, vector<16xi1> -> vector<16xf32>
      %parallel_loop3A_142 = arith.constant 0 : index
      %parallel_loop3A_143 = tpu.vector_load %arg7[%parallel_loop3A_142] {strides = array<i32>} : memref<16xf32, #tpu.memory_space<vmem>>, vector<16xf32>,
      %parallel_loop3A_144 = arith.addf %parallel_loop3A_141, %parallel_loop3A_143 : vector<16xf32>
      %parallel_loop3A_145 = vector.broadcast %parallel_loop3A_73 : i32 to vector<16xi32>
      %parallel_loop3A_146 = arith.addi %broadcast_in_dim3A_41, %parallel_loop3A_145 : vector<16xi32>
      tpu.vector_store_idx %arg10[%parallel_loop3A_146], %parallel_loop3A_144 masked %eq3A_11 : memref<512xf32, #tpu.memory_space<vmem>>[vector<16xi32>], vector<16xf32>, vector<16xi1>
    } {sc.loop_unroll_factor = 2 : i64, sc.parallel_access}
    %add3A_45 = arith.constant 256 : i32
    %add3A_46 = arith.addi %mul3A_2, %add3A_45 : i32
    %dma_wait3A_47 = arith.constant 0 : i32
    %dma_wait3A_48 = tpu.memref_slice %arg2[%add3A_46, %dma_wait3A_47] : memref<16384x200xi32, #tpu.memory_space<hbm>> -> memref<128x200xi32, #tpu.memory_space<hbm>>
    %dma_wait3A_49 = arith.constant 0 : i32
    %dma_wait3A_50 = tpu.memref_slice %arg2[%add3A_46, %dma_wait3A_49] : memref<16384x200xi32, #tpu.memory_space<hbm>> -> memref<128x200xi32, #tpu.memory_space<hbm>>
    tpu.wait_dma2 semaphore(%arg11 : memref<!tpu.dma_semaphore, #tpu.memory_space<semaphore_mem>>) src(%dma_wait3A_50 : memref<128x200xi32, #tpu.memory_space<hbm>>) dst(%arg8 : memref<128x200xi32, #tpu.memory_space<vmem>>)
    %add3A_51 = arith.constant 384 : i32
    %add3A_52 = arith.addi %mul3A_2, %add3A_51 : i32
    %dma_start3A_53 = arith.constant 0 : i32
    %dma_start3A_54 = tpu.memref_slice %arg2[%add3A_52, %dma_start3A_53] : memref<16384x200xi32, #tpu.memory_space<hbm>> -> memref<128x200xi32, #tpu.memory_space<hbm>>
    %dma_start3A_55 = arith.constant 0 : i32
    %dma_start3A_56 = tpu.memref_slice %arg2[%add3A_52, %dma_start3A_55] : memref<16384x200xi32, #tpu.memory_space<hbm>> -> memref<128x200xi32, #tpu.memory_space<hbm>>
    tpu.enqueue_dma source(%dma_start3A_56 : memref<128x200xi32, #tpu.memory_space<hbm>>) target(%arg9 : memref<128x200xi32, #tpu.memory_space<vmem>>) target_semaphore(%arg12 : memref<!tpu.dma_semaphore, #tpu.memory_space<semaphore_mem>>)
    %broadcast_in_dim3A_57 = arith.constant 256 : i32
    %broadcast_in_dim3A_58 = vector.broadcast %broadcast_in_dim3A_57 : i32 to vector<16xi32>
    %parallel_loop3A_59 = arith.constant 0 : i32
    %parallel_loop3A_60 = arith.constant 128 : i32
    %parallel_loop3A_61 = arith.constant 1 : i32
    scf.for %parallel_loop3A_73 = %parallel_loop3A_59 to %parallel_loop3A_60 step %parallel_loop3A_61  : i32 {
      %parallel_loop3A_74 = arith.index_cast %parallel_loop3A_73 : i32 to index
      %parallel_loop3A_75 = arith.constant 0 : index
      %parallel_loop3A_76 = tpu.vector_load %arg8[%parallel_loop3A_74, %parallel_loop3A_75] {strides = array<i32>} : memref<128x200xi32, #tpu.memory_space<vmem>>, vector<16xi32>,
      %parallel_loop3A_77 = tpu.vector_load_idx %arg6[%parallel_loop3A_76] : memref<1024xf32, #tpu.memory_space<vmem>>[vector<16xi32>], vector<16xf32>,
      %parallel_loop3A_78 = arith.index_cast %parallel_loop3A_73 : i32 to index
      %parallel_loop3A_79 = arith.constant 16 : index
      %parallel_loop3A_80 = tpu.vector_load %arg8[%parallel_loop3A_78, %parallel_loop3A_79] {strides = array<i32>} : memref<128x200xi32, #tpu.memory_space<vmem>>, vector<16xi32>,
      %parallel_loop3A_81 = tpu.vector_load_idx %arg6[%parallel_loop3A_80] : memref<1024xf32, #tpu.memory_space<vmem>>[vector<16xi32>], vector<16xf32>,
      %parallel_loop3A_82 = arith.index_cast %parallel_loop3A_73 : i32 to index
      %parallel_loop3A_83 = arith.constant 32 : index
      %parallel_loop3A_84 = tpu.vector_load %arg8[%parallel_loop3A_82, %parallel_loop3A_83] {strides = array<i32>} : memref<128x200xi32, #tpu.memory_space<vmem>>, vector<16xi32>,
      %parallel_loop3A_85 = tpu.vector_load_idx %arg6[%parallel_loop3A_84] : memref<1024xf32, #tpu.memory_space<vmem>>[vector<16xi32>], vector<16xf32>,
      %parallel_loop3A_86 = arith.index_cast %parallel_loop3A_73 : i32 to index
      %parallel_loop3A_87 = arith.constant 48 : index
      %parallel_loop3A_88 = tpu.vector_load %arg8[%parallel_loop3A_86, %parallel_loop3A_87] {strides = array<i32>} : memref<128x200xi32, #tpu.memory_space<vmem>>, vector<16xi32>,
      %parallel_loop3A_89 = tpu.vector_load_idx %arg6[%parallel_loop3A_88] : memref<1024xf32, #tpu.memory_space<vmem>>[vector<16xi32>], vector<16xf32>,
      %parallel_loop3A_90 = arith.index_cast %parallel_loop3A_73 : i32 to index
      %parallel_loop3A_91 = arith.constant 64 : index
      %parallel_loop3A_92 = tpu.vector_load %arg8[%parallel_loop3A_90, %parallel_loop3A_91] {strides = array<i32>} : memref<128x200xi32, #tpu.memory_space<vmem>>, vector<16xi32>,
      %parallel_loop3A_93 = tpu.vector_load_idx %arg6[%parallel_loop3A_92] : memref<1024xf32, #tpu.memory_space<vmem>>[vector<16xi32>], vector<16xf32>,
      %parallel_loop3A_94 = arith.index_cast %parallel_loop3A_73 : i32 to index
      %parallel_loop3A_95 = arith.constant 80 : index
      %parallel_loop3A_96 = tpu.vector_load %arg8[%parallel_loop3A_94, %parallel_loop3A_95] {strides = array<i32>} : memref<128x200xi32, #tpu.memory_space<vmem>>, vector<16xi32>,
      %parallel_loop3A_97 = tpu.vector_load_idx %arg6[%parallel_loop3A_96] : memref<1024xf32, #tpu.memory_space<vmem>>[vector<16xi32>], vector<16xf32>,
      %parallel_loop3A_98 = arith.index_cast %parallel_loop3A_73 : i32 to index
      %parallel_loop3A_99 = arith.constant 96 : index
      %parallel_loop3A_100 = tpu.vector_load %arg8[%parallel_loop3A_98, %parallel_loop3A_99] {strides = array<i32>} : memref<128x200xi32, #tpu.memory_space<vmem>>, vector<16xi32>,
      %parallel_loop3A_101 = tpu.vector_load_idx %arg6[%parallel_loop3A_100] : memref<1024xf32, #tpu.memory_space<vmem>>[vector<16xi32>], vector<16xf32>,
      %parallel_loop3A_102 = arith.index_cast %parallel_loop3A_73 : i32 to index
      %parallel_loop3A_103 = arith.constant 112 : index
      %parallel_loop3A_104 = tpu.vector_load %arg8[%parallel_loop3A_102, %parallel_loop3A_103] {strides = array<i32>} : memref<128x200xi32, #tpu.memory_space<vmem>>, vector<16xi32>,
      %parallel_loop3A_105 = tpu.vector_load_idx %arg6[%parallel_loop3A_104] : memref<1024xf32, #tpu.memory_space<vmem>>[vector<16xi32>], vector<16xf32>,
      %parallel_loop3A_106 = arith.index_cast %parallel_loop3A_73 : i32 to index
      %parallel_loop3A_107 = arith.constant 128 : index
      %parallel_loop3A_108 = tpu.vector_load %arg8[%parallel_loop3A_106, %parallel_loop3A_107] {strides = array<i32>} : memref<128x200xi32, #tpu.memory_space<vmem>>, vector<16xi32>,
      %parallel_loop3A_109 = tpu.vector_load_idx %arg6[%parallel_loop3A_108] : memref<1024xf32, #tpu.memory_space<vmem>>[vector<16xi32>], vector<16xf32>,
      %parallel_loop3A_110 = arith.index_cast %parallel_loop3A_73 : i32 to index
      %parallel_loop3A_111 = arith.constant 144 : index
      %parallel_loop3A_112 = tpu.vector_load %arg8[%parallel_loop3A_110, %parallel_loop3A_111] {strides = array<i32>} : memref<128x200xi32, #tpu.memory_space<vmem>>, vector<16xi32>,
      %parallel_loop3A_113 = tpu.vector_load_idx %arg6[%parallel_loop3A_112] : memref<1024xf32, #tpu.memory_space<vmem>>[vector<16xi32>], vector<16xf32>,
      %parallel_loop3A_114 = arith.index_cast %parallel_loop3A_73 : i32 to index
      %parallel_loop3A_115 = arith.constant 160 : index
      %parallel_loop3A_116 = tpu.vector_load %arg8[%parallel_loop3A_114, %parallel_loop3A_115] {strides = array<i32>} : memref<128x200xi32, #tpu.memory_space<vmem>>, vector<16xi32>,
      %parallel_loop3A_117 = tpu.vector_load_idx %arg6[%parallel_loop3A_116] : memref<1024xf32, #tpu.memory_space<vmem>>[vector<16xi32>], vector<16xf32>,
      %parallel_loop3A_118 = arith.index_cast %parallel_loop3A_73 : i32 to index
      %parallel_loop3A_119 = arith.constant 176 : index
      %parallel_loop3A_120 = tpu.vector_load %arg8[%parallel_loop3A_118, %parallel_loop3A_119] {strides = array<i32>} : memref<128x200xi32, #tpu.memory_space<vmem>>, vector<16xi32>,
      %parallel_loop3A_121 = tpu.vector_load_idx %arg6[%parallel_loop3A_120] : memref<1024xf32, #tpu.memory_space<vmem>>[vector<16xi32>], vector<16xf32>,
      %parallel_loop3A_122 = arith.index_cast %parallel_loop3A_73 : i32 to index
      %parallel_loop3A_123 = arith.constant 184 : index
      %parallel_loop3A_124 = tpu.vector_load %arg8[%parallel_loop3A_122, %parallel_loop3A_123] {strides = array<i32>} : memref<128x200xi32, #tpu.memory_space<vmem>>, vector<16xi32>,
      %parallel_loop3A_125 = tpu.vector_load_idx %arg6[%parallel_loop3A_124] : memref<1024xf32, #tpu.memory_space<vmem>>[vector<16xi32>], vector<16xf32>,
      %parallel_loop3A_126 = arith.select %ge3A_9, %parallel_loop3A_125, %broadcast_in_dim3A_12 : vector<16xi1>, vector<16xf32>
      %parallel_loop3A_127 = arith.addf %parallel_loop3A_77, %parallel_loop3A_81 : vector<16xf32>
      %parallel_loop3A_128 = arith.addf %parallel_loop3A_85, %parallel_loop3A_89 : vector<16xf32>
      %parallel_loop3A_129 = arith.addf %parallel_loop3A_93, %parallel_loop3A_97 : vector<16xf32>
      %parallel_loop3A_130 = arith.addf %parallel_loop3A_101, %parallel_loop3A_105 : vector<16xf32>
      %parallel_loop3A_131 = arith.addf %parallel_loop3A_109, %parallel_loop3A_113 : vector<16xf32>
      %parallel_loop3A_132 = arith.addf %parallel_loop3A_117, %parallel_loop3A_121 : vector<16xf32>
      %parallel_loop3A_133 = arith.addf %parallel_loop3A_127, %parallel_loop3A_128 : vector<16xf32>
      %parallel_loop3A_134 = arith.addf %parallel_loop3A_129, %parallel_loop3A_130 : vector<16xf32>
      %parallel_loop3A_135 = arith.addf %parallel_loop3A_131, %parallel_loop3A_132 : vector<16xf32>
      %parallel_loop3A_136 = arith.addf %parallel_loop3A_133, %parallel_loop3A_134 : vector<16xf32>
      %parallel_loop3A_137 = arith.addf %parallel_loop3A_135, %parallel_loop3A_126 : vector<16xf32>
      %parallel_loop3A_138 = arith.addf %parallel_loop3A_136, %parallel_loop3A_137 : vector<16xf32>
      %parallel_loop3A_139 = arith.constant true
      %parallel_loop3A_140 = vector.broadcast %parallel_loop3A_139 : i1 to vector<16xi1>
      %parallel_loop3A_141 = tpu.scan <sum>, %parallel_loop3A_138 masked %parallel_loop3A_140 : vector<16xf32>, vector<16xi1> -> vector<16xf32>
      %parallel_loop3A_142 = arith.constant 0 : index
      %parallel_loop3A_143 = tpu.vector_load %arg7[%parallel_loop3A_142] {strides = array<i32>} : memref<16xf32, #tpu.memory_space<vmem>>, vector<16xf32>,
      %parallel_loop3A_144 = arith.addf %parallel_loop3A_141, %parallel_loop3A_143 : vector<16xf32>
      %parallel_loop3A_145 = vector.broadcast %parallel_loop3A_73 : i32 to vector<16xi32>
      %parallel_loop3A_146 = arith.addi %broadcast_in_dim3A_58, %parallel_loop3A_145 : vector<16xi32>
      tpu.vector_store_idx %arg10[%parallel_loop3A_146], %parallel_loop3A_144 masked %eq3A_11 : memref<512xf32, #tpu.memory_space<vmem>>[vector<16xi32>], vector<16xf32>, vector<16xi1>
    } {sc.loop_unroll_factor = 2 : i64, sc.parallel_access}
    %add3A_62 = arith.constant 384 : i32
    %add3A_63 = arith.addi %mul3A_2, %add3A_62 : i32
    %dma_wait3A_64 = arith.constant 0 : i32
    %dma_wait3A_65 = tpu.memref_slice %arg2[%add3A_63, %dma_wait3A_64] : memref<16384x200xi32, #tpu.memory_space<hbm>> -> memref<128x200xi32, #tpu.memory_space<hbm>>
    %dma_wait3A_66 = arith.constant 0 : i32
    %dma_wait3A_67 = tpu.memref_slice %arg2[%add3A_63, %dma_wait3A_66] : memref<16384x200xi32, #tpu.memory_space<hbm>> -> memref<128x200xi32, #tpu.memory_space<hbm>>
    tpu.wait_dma2 semaphore(%arg12 : memref<!tpu.dma_semaphore, #tpu.memory_space<semaphore_mem>>) src(%dma_wait3A_67 : memref<128x200xi32, #tpu.memory_space<hbm>>) dst(%arg9 : memref<128x200xi32, #tpu.memory_space<vmem>>)
    %broadcast_in_dim3A_68 = arith.constant 384 : i32
    %broadcast_in_dim3A_69 = vector.broadcast %broadcast_in_dim3A_68 : i32 to vector<16xi32>
    %parallel_loop3A_70 = arith.constant 0 : i32
    %parallel_loop3A_71 = arith.constant 128 : i32
    %parallel_loop3A_72 = arith.constant 1 : i32
    scf.for %parallel_loop3A_73 = %parallel_loop3A_70 to %parallel_loop3A_71 step %parallel_loop3A_72  : i32 {
      %parallel_loop3A_74 = arith.index_cast %parallel_loop3A_73 : i32 to index
      %parallel_loop3A_75 = arith.constant 0 : index
      %parallel_loop3A_76 = tpu.vector_load %arg9[%parallel_loop3A_74, %parallel_loop3A_75] {strides = array<i32>} : memref<128x200xi32, #tpu.memory_space<vmem>>, vector<16xi32>,
      %parallel_loop3A_77 = tpu.vector_load_idx %arg6[%parallel_loop3A_76] : memref<1024xf32, #tpu.memory_space<vmem>>[vector<16xi32>], vector<16xf32>,
      %parallel_loop3A_78 = arith.index_cast %parallel_loop3A_73 : i32 to index
      %parallel_loop3A_79 = arith.constant 16 : index
      %parallel_loop3A_80 = tpu.vector_load %arg9[%parallel_loop3A_78, %parallel_loop3A_79] {strides = array<i32>} : memref<128x200xi32, #tpu.memory_space<vmem>>, vector<16xi32>,
      %parallel_loop3A_81 = tpu.vector_load_idx %arg6[%parallel_loop3A_80] : memref<1024xf32, #tpu.memory_space<vmem>>[vector<16xi32>], vector<16xf32>,
      %parallel_loop3A_82 = arith.index_cast %parallel_loop3A_73 : i32 to index
      %parallel_loop3A_83 = arith.constant 32 : index
      %parallel_loop3A_84 = tpu.vector_load %arg9[%parallel_loop3A_82, %parallel_loop3A_83] {strides = array<i32>} : memref<128x200xi32, #tpu.memory_space<vmem>>, vector<16xi32>,
      %parallel_loop3A_85 = tpu.vector_load_idx %arg6[%parallel_loop3A_84] : memref<1024xf32, #tpu.memory_space<vmem>>[vector<16xi32>], vector<16xf32>,
      %parallel_loop3A_86 = arith.index_cast %parallel_loop3A_73 : i32 to index
      %parallel_loop3A_87 = arith.constant 48 : index
      %parallel_loop3A_88 = tpu.vector_load %arg9[%parallel_loop3A_86, %parallel_loop3A_87] {strides = array<i32>} : memref<128x200xi32, #tpu.memory_space<vmem>>, vector<16xi32>,
      %parallel_loop3A_89 = tpu.vector_load_idx %arg6[%parallel_loop3A_88] : memref<1024xf32, #tpu.memory_space<vmem>>[vector<16xi32>], vector<16xf32>,
      %parallel_loop3A_90 = arith.index_cast %parallel_loop3A_73 : i32 to index
      %parallel_loop3A_91 = arith.constant 64 : index
      %parallel_loop3A_92 = tpu.vector_load %arg9[%parallel_loop3A_90, %parallel_loop3A_91] {strides = array<i32>} : memref<128x200xi32, #tpu.memory_space<vmem>>, vector<16xi32>,
      %parallel_loop3A_93 = tpu.vector_load_idx %arg6[%parallel_loop3A_92] : memref<1024xf32, #tpu.memory_space<vmem>>[vector<16xi32>], vector<16xf32>,
      %parallel_loop3A_94 = arith.index_cast %parallel_loop3A_73 : i32 to index
      %parallel_loop3A_95 = arith.constant 80 : index
      %parallel_loop3A_96 = tpu.vector_load %arg9[%parallel_loop3A_94, %parallel_loop3A_95] {strides = array<i32>} : memref<128x200xi32, #tpu.memory_space<vmem>>, vector<16xi32>,
      %parallel_loop3A_97 = tpu.vector_load_idx %arg6[%parallel_loop3A_96] : memref<1024xf32, #tpu.memory_space<vmem>>[vector<16xi32>], vector<16xf32>,
      %parallel_loop3A_98 = arith.index_cast %parallel_loop3A_73 : i32 to index
      %parallel_loop3A_99 = arith.constant 96 : index
      %parallel_loop3A_100 = tpu.vector_load %arg9[%parallel_loop3A_98, %parallel_loop3A_99] {strides = array<i32>} : memref<128x200xi32, #tpu.memory_space<vmem>>, vector<16xi32>,
      %parallel_loop3A_101 = tpu.vector_load_idx %arg6[%parallel_loop3A_100] : memref<1024xf32, #tpu.memory_space<vmem>>[vector<16xi32>], vector<16xf32>,
      %parallel_loop3A_102 = arith.index_cast %parallel_loop3A_73 : i32 to index
      %parallel_loop3A_103 = arith.constant 112 : index
      %parallel_loop3A_104 = tpu.vector_load %arg9[%parallel_loop3A_102, %parallel_loop3A_103] {strides = array<i32>} : memref<128x200xi32, #tpu.memory_space<vmem>>, vector<16xi32>,
      %parallel_loop3A_105 = tpu.vector_load_idx %arg6[%parallel_loop3A_104] : memref<1024xf32, #tpu.memory_space<vmem>>[vector<16xi32>], vector<16xf32>,
      %parallel_loop3A_106 = arith.index_cast %parallel_loop3A_73 : i32 to index
      %parallel_loop3A_107 = arith.constant 128 : index
      %parallel_loop3A_108 = tpu.vector_load %arg9[%parallel_loop3A_106, %parallel_loop3A_107] {strides = array<i32>} : memref<128x200xi32, #tpu.memory_space<vmem>>, vector<16xi32>,
      %parallel_loop3A_109 = tpu.vector_load_idx %arg6[%parallel_loop3A_108] : memref<1024xf32, #tpu.memory_space<vmem>>[vector<16xi32>], vector<16xf32>,
      %parallel_loop3A_110 = arith.index_cast %parallel_loop3A_73 : i32 to index
      %parallel_loop3A_111 = arith.constant 144 : index
      %parallel_loop3A_112 = tpu.vector_load %arg9[%parallel_loop3A_110, %parallel_loop3A_111] {strides = array<i32>} : memref<128x200xi32, #tpu.memory_space<vmem>>, vector<16xi32>,
      %parallel_loop3A_113 = tpu.vector_load_idx %arg6[%parallel_loop3A_112] : memref<1024xf32, #tpu.memory_space<vmem>>[vector<16xi32>], vector<16xf32>,
      %parallel_loop3A_114 = arith.index_cast %parallel_loop3A_73 : i32 to index
      %parallel_loop3A_115 = arith.constant 160 : index
      %parallel_loop3A_116 = tpu.vector_load %arg9[%parallel_loop3A_114, %parallel_loop3A_115] {strides = array<i32>} : memref<128x200xi32, #tpu.memory_space<vmem>>, vector<16xi32>,
      %parallel_loop3A_117 = tpu.vector_load_idx %arg6[%parallel_loop3A_116] : memref<1024xf32, #tpu.memory_space<vmem>>[vector<16xi32>], vector<16xf32>,
      %parallel_loop3A_118 = arith.index_cast %parallel_loop3A_73 : i32 to index
      %parallel_loop3A_119 = arith.constant 176 : index
      %parallel_loop3A_120 = tpu.vector_load %arg9[%parallel_loop3A_118, %parallel_loop3A_119] {strides = array<i32>} : memref<128x200xi32, #tpu.memory_space<vmem>>, vector<16xi32>,
      %parallel_loop3A_121 = tpu.vector_load_idx %arg6[%parallel_loop3A_120] : memref<1024xf32, #tpu.memory_space<vmem>>[vector<16xi32>], vector<16xf32>,
      %parallel_loop3A_122 = arith.index_cast %parallel_loop3A_73 : i32 to index
      %parallel_loop3A_123 = arith.constant 184 : index
      %parallel_loop3A_124 = tpu.vector_load %arg9[%parallel_loop3A_122, %parallel_loop3A_123] {strides = array<i32>} : memref<128x200xi32, #tpu.memory_space<vmem>>, vector<16xi32>,
      %parallel_loop3A_125 = tpu.vector_load_idx %arg6[%parallel_loop3A_124] : memref<1024xf32, #tpu.memory_space<vmem>>[vector<16xi32>], vector<16xf32>,
      %parallel_loop3A_126 = arith.select %ge3A_9, %parallel_loop3A_125, %broadcast_in_dim3A_12 : vector<16xi1>, vector<16xf32>
      %parallel_loop3A_127 = arith.addf %parallel_loop3A_77, %parallel_loop3A_81 : vector<16xf32>
      %parallel_loop3A_128 = arith.addf %parallel_loop3A_85, %parallel_loop3A_89 : vector<16xf32>
      %parallel_loop3A_129 = arith.addf %parallel_loop3A_93, %parallel_loop3A_97 : vector<16xf32>
      %parallel_loop3A_130 = arith.addf %parallel_loop3A_101, %parallel_loop3A_105 : vector<16xf32>
      %parallel_loop3A_131 = arith.addf %parallel_loop3A_109, %parallel_loop3A_113 : vector<16xf32>
      %parallel_loop3A_132 = arith.addf %parallel_loop3A_117, %parallel_loop3A_121 : vector<16xf32>
      %parallel_loop3A_133 = arith.addf %parallel_loop3A_127, %parallel_loop3A_128 : vector<16xf32>
      %parallel_loop3A_134 = arith.addf %parallel_loop3A_129, %parallel_loop3A_130 : vector<16xf32>
      %parallel_loop3A_135 = arith.addf %parallel_loop3A_131, %parallel_loop3A_132 : vector<16xf32>
      %parallel_loop3A_136 = arith.addf %parallel_loop3A_133, %parallel_loop3A_134 : vector<16xf32>
      %parallel_loop3A_137 = arith.addf %parallel_loop3A_135, %parallel_loop3A_126 : vector<16xf32>
      %parallel_loop3A_138 = arith.addf %parallel_loop3A_136, %parallel_loop3A_137 : vector<16xf32>
      %parallel_loop3A_139 = arith.constant true
      %parallel_loop3A_140 = vector.broadcast %parallel_loop3A_139 : i1 to vector<16xi1>
      %parallel_loop3A_141 = tpu.scan <sum>, %parallel_loop3A_138 masked %parallel_loop3A_140 : vector<16xf32>, vector<16xi1> -> vector<16xf32>
      %parallel_loop3A_142 = arith.constant 0 : index
      %parallel_loop3A_143 = tpu.vector_load %arg7[%parallel_loop3A_142] {strides = array<i32>} : memref<16xf32, #tpu.memory_space<vmem>>, vector<16xf32>,
      %parallel_loop3A_144 = arith.addf %parallel_loop3A_141, %parallel_loop3A_143 : vector<16xf32>
      %parallel_loop3A_145 = vector.broadcast %parallel_loop3A_73 : i32 to vector<16xi32>
      %parallel_loop3A_146 = arith.addi %broadcast_in_dim3A_69, %parallel_loop3A_145 : vector<16xi32>
      tpu.vector_store_idx %arg10[%parallel_loop3A_146], %parallel_loop3A_144 masked %eq3A_11 : memref<512xf32, #tpu.memory_space<vmem>>[vector<16xi32>], vector<16xf32>, vector<16xi1>
    } {sc.loop_unroll_factor = 2 : i64, sc.parallel_access}
    "tpu.region"() ({
      %run_scoped3A = tpu.sem_alloc : memref<!tpu.dma_semaphore, #tpu.memory_space<semaphore_mem>>
      %dma_start3A_73 = tpu.memref_slice %arg5[%mul3A_2] : memref<16384xf32, #tpu.memory_space<hbm>> -> memref<512xf32, #tpu.memory_space<hbm>>
      %dma_start3A_74 = tpu.memref_slice %arg5[%mul3A_2] : memref<16384xf32, #tpu.memory_space<hbm>> -> memref<512xf32, #tpu.memory_space<hbm>>
      tpu.enqueue_dma source(%arg10 : memref<512xf32, #tpu.memory_space<vmem>>) target(%dma_start3A_74 : memref<512xf32, #tpu.memory_space<hbm>>) target_semaphore(%run_scoped3A : memref<!tpu.dma_semaphore, #tpu.memory_space<semaphore_mem>>)
      %dma_wait3A_75 = tpu.memref_slice %arg5[%mul3A_2] : memref<16384xf32, #tpu.memory_space<hbm>> -> memref<512xf32, #tpu.memory_space<hbm>>
      %dma_wait3A_76 = tpu.memref_slice %arg5[%mul3A_2] : memref<16384xf32, #tpu.memory_space<hbm>> -> memref<512xf32, #tpu.memory_space<hbm>>
      tpu.wait_dma2 semaphore(%run_scoped3A : memref<!tpu.dma_semaphore, #tpu.memory_space<semaphore_mem>>) src(%arg10 : memref<512xf32, #tpu.memory_space<vmem>>) dst(%dma_wait3A_76 : memref<512xf32, #tpu.memory_space<hbm>>)
      tpu.yield
    }) : () -> ()
    return
  }
}

</mosaic_0001>

<sc_bundles>
// kernel: _run.3.cloned.1.call-start
scs
__scs_entry_jumppad:
0x0: {  	(pc) =	sbr.rel $0x88, $3  }
0x1: {  	(tag) =	ssettag $0x0;
	lr =	simm.s32 $0x1  }
0x2: {  	[smem:$0x3F9E] =	sst lr;
	_ =	strace $0xD0000000  }
0x3: {  	_ = 	snop  }
0x4: {  	_ = 	snop  }
0x5: {  	_ = 	snop  }
0x6: {  	_ = 	snop  }
0x7: {  	_ = 	snop  }
__scs_overlays_trampoline_lowered:
0x8: {  	[smem:$0x3FAD] =	sst s0  }
0x9: {  	[smem:$0x3FAE] =	sst s1  }
0xa: {  	[smem:$0x3FAF] =	sst s2  }
0xb: {  	[smem:$0x3FB0] =	sst s3  }
0xc: {  	[smem:$0x3FB1] =	sst s4  }
0xd: {  	[smem:$0x3FB2] =	sst s5  }
0xe: {  	[smem:$0x3FB3] =	sst s6  }
0xf: {  	[smem:$0x3FB4] =	sst s7  }
0x10: {  	[smem:$0x3FB5] =	sst s8  }
0x11: {  	[smem:$0x3FB6] =	sst s9;
	s0 =	simm.s32 @!p0 $0x0  }
0x12: {  	s1 =	sld [smem:$0x3F9C];
	s0 =	simm.s32 @p0 $0x1  }
0x13: {  	[smem:$0x3FB7] =	sst s0;
	s0 =	simm.s32 @!p1 $0x0  }
0x14: {  	s2 =	sld [smem:$0x3F9B];
	s0 =	simm.s32 @p1 $0x1  }
0x15: {  	[smem:$0x3FB8] =	sst s0;
	s0 =	simm.s32 @!p2 $0x0  }
0x16: {  	s3 =	sld [smem:$0x3FDB];
	s0 =	simm.s32 @p2 $0x1  }
0x17: {  	s4 =	simm.s32 $0x1BF5;
	[smem:$0x3FBA] =	sst s0  }
0x18: {  	s0 =	sld [smem:$0x3F9D];
	_ =	swait.ge [sflag:s4], $0x0  }
0x19: {  	s7 =	sld [smem:$0x3F9E]  }
0x1a: {  	s8 =	sadd.s32 $0xFFFFE003, lr  }
0x1b: {  	s9 =	sadd.s32 $0xFFFFFEF7, lr;
	s5 =	simm.s32 $0xFFFFFFFF;
	p2 =	slt.u32 s8, $0xFFFFF086  }
0x1c: {  	p1 =	slt.u32 s9, $0xF7A;
	s5 =	simm.s32 @!p2 $0x0  }
0x1d: {  	s5 =	simm.s32 @p1 $0x1;
	p0 =	seq.s32 s7, s2  }
0x1e: {  	s7 =	smul.u32 @!p0 $0xF7A, s2;
	p2 =	seq.s32 @!p0 s5, $0x0  }
0x1f: {  	s9 =	smul.u32 $0xF7A, s1;
	s8 =	simm.s32 @!p0 $0x1BF5;
	p2 =	por !p2, p0  }
0x20: {  	[sflag:s8] =	ssyncset.s32 @!p0 $0xFFFFF086;
	s6 =	sadd.s32 @!p0 s3, s7;
	s7 =	simm.s32 @!p0 $0x108  }
0x21: {  	s3 =	sadd.s32 s3, s9;
	s6 =	sadd.s32 @!p0 $0x88, s6;
	s7 =	simm.s32 @p2 $0x1082  }
0x22: {  	[simem:s7], [sflag:s8] =	dma.local @!p0 [hbm:s6], $0xF7A  }
0x23: {  	s9 =	sor.u32 $0xD0000000, s2;
	s6 =	simm.s32 $0x108;
	_ =	swait.ge @!p0 [sflag:s8], $0x0  }
0x24: {  	s3 =	sadd.s32 $0x88, s3;
	s6 =	simm.s32 @!p1 $0x1082;
	[sflag:s4] =	ssyncset.s32 $0xFFFFF086  }
0x25: {  	[simem:s6], [sflag:s4] =	dma.local [hbm:s3], $0xF7A  }
0x26: {  	[smem:$0x3F9E] =	sst s1;
	(tag) =	ssettag s2;
	_ =	strace s9  }
0x27: {  	s1 =	sld [smem:$0x3FAE]  }
0x28: {  	s2 =	sld [smem:$0x3FAF]  }
0x29: {  	s4 =	sld [smem:$0x3FB1]  }
0x2a: {  	p0 =	seq.s32 s5, $0x0;
	s5 =	sld [smem:$0x3FB2]  }
0x2b: {  	s6 =	sld [smem:$0x3FB3]  }
0x2c: {  	s7 =	sld [smem:$0x3FB4]  }
0x2d: {  	s3 =	simm.s32 $0x108;
	s8 =	sld [smem:$0x3FB5]  }
0x2e: {  	s3 =	simm.s32 @!p0 $0x1082;
	s9 =	sld [smem:$0x3FB6]  }
0x2f: {  	lr =	sadd.s32 s0, s3;
	s0 =	sld [smem:$0x3FAD]  }
0x30: {  	s3 =	sld [smem:$0x3FB0]  }
0x31: {  	[smem:$0x3FB9] =	sst s10  }
0x32: {  	s10 =	sld [smem:$0x3FB7];
	_ =	sdelay $0x3  }
0x33: {  	p0 =	seq.s32 s10, $0x1;
	s10 =	sld [smem:$0x3FB9];
	_ =	sdelay $0x3  }
0x34: {  	[smem:$0x3FB9] =	sst s10  }
0x35: {  	s10 =	sld [smem:$0x3FB8];
	_ =	sdelay $0x3  }
0x36: {  	p1 =	seq.s32 s10, $0x1;
	s10 =	sld [smem:$0x3FB9];
	_ =	sdelay $0x3  }
0x37: {  	[smem:$0x3FB9] =	sst s10  }
0x38: {  	s10 =	sld [smem:$0x3FBA]  }
0x39: {  	_ = 	snop;
	(pc) =	sbr.ind lr, $3  }
0x3a: {  	_ = 	snop  }
0x3b: {  	_ = 	snop  }
0x3c: {  	p2 =	seq.s32 s10, $0x1;
	s10 =	sld [smem:$0x3FB9]  }
0x3d: {  	_ =	shalt  }
0x3e: {  	_ =	shalt  }
0x3f: {  	_ =	shalt  }
0x40: {  	_ =	shalt  }
0x41: {  	_ =	shalt  }
0x42: {  	_ =	shalt  }
0x43: {  	_ =	shalt  }
0x44: {  	_ =	shalt  }
0x45: {  	_ =	shalt  }
0x46: {  	_ =	shalt  }
0x47: {  	_ =	shalt  }
0x48: {  	_ =	shalt  }
0x49: {  	_ =	shalt  }
0x4a: {  	_ =	shalt  }
0x4b: {  	_ =	shalt  }
0x4c: {  	_ =	shalt  }
0x4d: {  	_ =	shalt  }
0x4e: {  	_ =	shalt  }
0x4f: {  	_ =	shalt  }
0x50: {  	_ =	shalt  }
0x51: {  	_ =	shalt  }
0x52: {  	_ =	shalt  }
0x53: {  	_ =	shalt  }
0x54: {  	_ =	shalt  }
0x55: {  	_ =	shalt  }
0x56: {  	_ =	shalt  }
0x57: {  	_ =	shalt  }
0x58: {  	_ =	shalt  }
0x59: {  	_ =	shalt  }
0x5a: {  	_ =	shalt  }
0x5b: {  	_ =	shalt  }
0x5c: {  	_ =	shalt  }
0x5d: {  	_ =	shalt  }
0x5e: {  	_ =	shalt  }
0x5f: {  	_ =	shalt  }
0x60: {  	_ =	shalt  }
0x61: {  	_ =	shalt  }
0x62: {  	_ =	shalt  }
0x63: {  	_ =	shalt  }
0x64: {  	_ =	shalt  }
0x65: {  	_ =	shalt  }
0x66: {  	_ =	shalt  }
0x67: {  	_ =	shalt  }
0x68: {  	_ =	shalt  }
0x69: {  	_ =	shalt  }
0x6a: {  	_ =	shalt  }
0x6b: {  	_ =	shalt  }
0x6c: {  	_ =	shalt  }
0x6d: {  	_ =	shalt  }
0x6e: {  	_ =	shalt  }
0x6f: {  	_ =	shalt  }
0x70: {  	_ =	shalt  }
0x71: {  	_ =	shalt  }
0x72: {  	_ =	shalt  }
0x73: {  	_ =	shalt  }
0x74: {  	_ =	shalt  }
0x75: {  	_ =	shalt  }
0x76: {  	_ =	shalt  }
0x77: {  	_ =	shalt  }
0x78: {  	_ =	shalt  }
0x79: {  	_ =	shalt  }
0x7a: {  	_ =	shalt  }
0x7b: {  	_ =	shalt  }
0x7c: {  	_ =	shalt  }
0x7d: {  	_ =	shalt  }
0x7e: {  	_ =	shalt  }
0x7f: {  	_ =	shalt  }
0x80: {  	_ =	shalt  }
0x81: {  	_ =	shalt  }
0x82: {  	_ =	shalt  }
0x83: {  	_ =	shalt  }
0x84: {  	_ =	shalt  }
0x85: {  	_ =	shalt  }
0x86: {  	_ =	shalt  }
0x87: {  	_ =	shalt  }
.Lfunc_end0:
.L_simem_size_0:
called_computation_lowered:
.L_overlay_start_0:
0x88: {  	s2 =	sld [smem:$0x3FD9]  }
0x89: {  	s3 =	sld [smem:$0x3FFE];
	_ =	sdelay $0x1  }
0x8a: {  	s1 =	srdreg.scid  }
0x8b: {  	s0 =	sand.u32 $0x1, s1  }
0x8c: {  	s17 =	sshll.u32 s0, $0xA;
	s2 =	sadd.s32 s3, s2  }
0x8d: {  	s2 =	sadd.s32 s2, s17  }
0x8e: {  	[smem:$0x3FC5] =	sst s2  }
0x8f: {  	_ = 	snop  }
0x90: {  	s2 =	sld [smem:$0x3FC8]  }
0x91: {  	s18 =	sld [smem:$0x3FC7]  }
0x92: {  	s4 =	sld [smem:$0x3FD0];
	(tm) =	ssettm $0x1  }
0x93: {  	s5 =	sld [smem:$0x3FFB];
	_ =	sdelay $0x3  }
0x94: {  	_ =	strace s5  }
0x95: {  	s5 =	sld [smem:$0x3FFC];
	_ =	sdelay $0x3  }
0x96: {  	_ =	strace s5  }
0x97: {  	s5 =	sld [smem:$0x3FFD];
	_ =	sdelay $0x3  }
0x98: {  	_ =	strace s5  }
0x99: {  	_ =	strace $0x8FFFFFFF  }
0x9a: {  	s19 =	sld [smem:$0x3FDB];
	_ =	sdelay $0x1  }
0x9b: {  	s6 =	simm.s32 $_scs_section_size  }
0x9c: {  	s7 =	simm.s32 $_size__tile_overlayer_lowered;
	s8 =	simm.s32 $_tile_overlayer_lowered  }
0x9d: {  	s22 =	simm.s32 $0x1BFF;
	s21 =	sshll.u32 s8, $0x1;
	s5 =	sadd.s32 s6, s19  }
0x9e: {  	s9 =	simm.s32 $0x0;
	s20 =	sshll.u32 s7, $0x1;
	s7 =	sadd.s32 s21, s5  }
0x9f: {  	[timem:s9], [sflag:s22] =	dma.local [hbm:s7], s20  }
0xa0: {  	_ =	swait.ge [sflag:s22], s20  }
0xa1: {  	s6 =	ssub.s32 $0x0, s20;
	[sflag:s22] =	ssyncset.done $0x0  }
0xa2: {  	[sflag:s22] =	ssyncadd.s32 s6;
	_ =	sdelay $0x1  }
0xa3: {  	s23 =	simm.s32 $0x1B8B  }
0xa4: {  	_ =	swait.ge [sflag:s23], $0x1  }
0xa5: {  	[sflag:s23] =	ssyncset.done $0x0  }
0xa6: {  	s25 =	simm.s32 $0x1B8E;
	s24 =	sld [smem:$0x3FFE];
	[sflag:s23] =	ssyncadd.s32 $0xFFFFFFFF  }
0xa7: {  	s26 =	simm.s32 $execute0_lowered;
	[smem:$0x3FD2] =	sst s25  }
0xa8: {  	s7 =	sshll.u32 s26, $0x1;
	_ =	strace $0x80000046;
	[dreg:$0x1] =	wrdreg $0xFFFFFFFF  }
0xa9: {  	s28 =	simm.s32 $_size_execute0_lowered;
	s5 =	sadd.s32 s5, s7;
	[dreg:$0x0] =	wrdreg $0x0  }
0xaa: {  	s7 =	sshll.u32 s28, $0x1;
	[dreg:$0x2] =	wrdreg s5  }
0xab: {  	[dreg:$0x3] =	wrdreg s7  }
0xac: {  	[dreg:$0x4] =	wrdreg $0xC0  }
0xad: {  	_ =	task [dreg:s9], $0x5FFFF  }
0xae: {  	[dreg:$0x1] =	wrdreg $0xFFFFFFFF  }
0xaf: {  	[dreg:$0x0] =	wrdreg $0x60  }
0xb0: {  	[dreg:$0x2] =	wrdreg s24  }
0xb1: {  	[dreg:$0x3] =	wrdreg s2  }
0xb2: {  	[dreg:$0x4] =	wrdreg s18  }
0xb3: {  	[dreg:$0x5] =	wrdreg s4  }
0xb4: {  	[dreg:$0x6] =	wrdreg $0x9  }
0xb5: {  	_ =	task.clear_ibuf [dreg:s9], $0x7FFFF;
	_ =	strace $0x90000046  }
0xb6: {  	s29 =	simm.s32 $0x9;
	_ =	strace $0x80000048  }
0xb7: {  	_ =	swait.ge [sflag:s29], $0x1  }
0xb8: {  	[sflag:s29] =	ssyncadd.s32 $0xFFFFFFFF  }
0xb9: {  	_ =	strace $0x90000048  }
0xba: {  	_ =	sfence  }
0xbb: {  	s30 =	sld [smem:$0x0];
	_ =	sdelay $0x2  }
0xbc: {  	s31 =	sshll.u32 s1, $0xD;
	s1 =	sshrl.u32 s1, $0x2  }
0xbd: {  	s3 =	sand.u32 $0x4000, s31;
	s1 =	sadd.s32 s1, s30  }
0xbe: {  	s0 =	sor.u32 s3, s0;
	s1 =	sshll.u32 s1, $0x11  }
0xbf: {  	s0 =	sor.u32 s1, s0  }
0xc0: {  	s0 =	sadd.s32 $0x8F2B, s0  }
0xc1: {  	[sflag:s0] =	ssyncadd.remote.s32 $0x1  }
0xc2: {  	_ =	sfence.sel $0xFFFF  }
0xc3: {  	[dreg:$0x0] =	wrdreg $0xFFFFFFFF;
	(pc) =	sbr.abs _section_cstart, $3  }
0xc4: {  	[dreg:$0x1] =	wrdreg $0xFFFFFFFF  }
0xc5: {  	_ =	task.clear_ibuf [dreg:s9], $0x2FFFF;
	_ =	strace $0x9FFFFFFF  }
0xc6: {  	(tm) =	ssettm $0x7FFFFFFF  }
0xc7: {  	_ =	shalt  }
tec
execute0_lowered:
.L_overlay_start_1:
0x0: {  	(tag) =	ssettag $0x1  }
0x1: {  	s5 =	rddreg [dreg:$0x0]  }
0x2: {  	s2 =	rddreg [dreg:$0x1]  }
0x3: {  	s3 =	rddreg [dreg:$0x2];
	s0 =	srdreg.scid  }
0x4: {  	s9 =	rddreg [dreg:$0x3];
	s1 =	stileid.u32;
	s4 =	simm.s32 $0x0  }
0x5: {  	s12 =	simm.s32 $0x400;
	s13 =	simm.s32 $0x480;
	s14 =	simm.s32 $0x1  }
0x6: {  	s15 =	simm.s32 $0x8480;
	s16 =	simm.s32 $0x10480;
	s17 =	simm.s32 $0x2  }
0x7: {  	s18 =	simm.s32 $0x0;
	s6 =	sand.u32 $0x1, s0;
	s0 =	rddreg [dreg:$0x4]  }
0x8: {  	s7 =	sshll.u32 s1, $0xA;
	[smem:$0x7FF] =	sst s4;
	s8 =	sshll.u32 s6, $0x9  }
0x9: {  	s6 =	ssub.s32 $0x2, s6;
	_ =	strace $0x80000047;
	s7 =	sor.u32 s8, s7  }
0xa: {  	s10 =	sshrl.u32 s6, $0x1;
	s8 =	sshll.u32 s7, $0x5;
	s11 =	sshrl.u32 s7, $0x3  }
0xb: {  	s10 =	ssub.s32 s6, s10;
	s8 =	sadd.s32 s8, s5;
	s9 =	sadd.s32 s9, s11  }
0xc: {  	s10 =	smax.u32 s10, $0x1;
	s11 =	simm.s32 $0x3;
	s5 =	sadd.s32 $0x400, s8  }
0xd: {  	vm0 =	vmmov $0xff;
	vm1 =	vcmask $0x3F3C;
	s6 =	sadd.s32 $0x1400, s8;
	s7 =	sadd.s32 $0x2400, s8;
	s8 =	sadd.s32 $0x3400, s8  }
.LBB2_1:
0xe: {  	[tilespmem:s4], [sflag:$0x3] =	stream.linear.gather [hbm4b:s2+s4], $0x400, $0x38;
	[tilespmem:$0x10680] =	vst v63  }
0xf: {  	_ =	swait.ge [sflag:s11], $0x400  }
0x10: {  	[sflag:s11] =	ssyncset.done $0x0  }
0x11: {  	[sflag:s11] =	ssyncadd.s32 $0xFFFFFC00  }
0x12: {  	[tilespmem:s12], [sflag:$0x3] =	stream.linear.gather [hbm4b:s3+s4], $0x80, $0x38;
	[tilespmem:$0x10680] =	vst v63  }
0x13: {  	_ =	swait.ge [sflag:s11], $0x80  }
0x14: {  	[sflag:s11] =	ssyncset.done $0x0  }
0x15: {  	[sflag:s11] =	ssyncadd.s32 $0xFFFFFF80  }
0x16: {  	[tilespmem:s13], [sflag:$0x1] =	stream.linear.gather [hbm4b:s5+s4], $0x8000, $0x38;
	[tilespmem:$0x10680] =	vst v63  }
0x17: {  	s19 =	simm.s32 $0x80;
	s20 =	sand.u32 $0x7800, s4;
	_ =	swait.ge [sflag:s14], $0x8000  }
0x18: {  	s20 =	sor.u32 $0x480, s20;
	s19 =	sand.u32 $0x380, s19;
	[sflag:s14] =	ssyncset.done $0x0  }
0x19: {  	s19 =	sadd.s32 s19, s20;
	[sflag:s14] =	ssyncadd.s32 $0xFFFF8000  }
0x1a: {  	[tilespmem:s15], [sflag:$0x2] =	stream.linear.gather [hbm4b:s6+s4], $0x8000, $0x38;
	[tilespmem:$0x10680] =	vst v63  }
0x1b: {  	v0 =	vld [tilespmem:s19+$0x438]  }
0x1c: {  	v1 =	vld [tilespmem:s19+$0x0]  }
0x1d: {  	v2 =	vld [tilespmem:s19+$0x10]  }
0x1e: {  	v3 =	vld [tilespmem:s19+$0x20]  }
0x1f: {  	v4 =	vld [tilespmem:s19+$0x30]  }
0x20: {  	v5 =	vld [tilespmem:s19+$0x40]  }
0x21: {  	v6 =	vld [tilespmem:s19+$0x50]  }
0x22: {  	v7 =	vld [tilespmem:s19+$0x60]  }
0x23: {  	v8 =	vld [tilespmem:s19+$0x70]  }
0x24: {  	v9 =	vld [tilespmem:s19+$0x400]  }
0x25: {  	v10 =	vld [tilespmem:s19+$0x410]  }
0x26: {  	s26 =	simm.s32 $0x0;
	v11 =	vld [tilespmem:s19+$0x420]  }
0x27: {  	v12 =	vld [tilespmem:s19+$0x430];
	s19 =	sand.u32 $0x300, s26  }
0x28: {  	s19 =	sor.u32 s19, s20  }
0x29: {  	v13 =	vld [tilespmem:s19+$0x0]  }
0x2a: {  	v14 =	vld [tilespmem:s19+$0x10]  }
0x2b: {  	v16 =	vld [tilespmem:s19+$0x30]  }
0x2c: {  	v17 =	vld [tilespmem:s19+$0x40]  }
0x2d: {  	v18 =	vld [tilespmem:s19+$0x50]  }
0x2e: {  	v19 =	vld [tilespmem:s19+$0x60]  }
0x2f: {  	v20 =	vld [tilespmem:s19+$0x70]  }
0x30: {  	v21 =	vld [tilespmem:s19+$0x400]  }
0x31: {  	v22 =	vld [tilespmem:s19+$0x410]  }
0x32: {  	v23 =	vld [tilespmem:s19+$0x420]  }
0x33: {  	v24 =	vld [tilespmem:s19+$0x430]  }
0x34: {  	v25 =	vld [tilespmem:s19+$0x438]  }
0x35: {  	v1 =	vld.idx.msk [tilespmem:v1+s4+$0x0], $0xffff  }
0x36: {  	v2 =	vld.idx.msk [tilespmem:v2+s4+$0x0], $0xffff  }
0x37: {  	v3 =	vld.idx.msk [tilespmem:v3+s4+$0x0], $0xffff  }
0x38: {  	v4 =	vld.idx.msk [tilespmem:v4+s4+$0x0], $0xffff  }
0x39: {  	v5 =	vld.idx.msk [tilespmem:v5+s4+$0x0], $0xffff  }
0x3a: {  	v6 =	vld.idx.msk [tilespmem:v6+s4+$0x0], $0xffff  }
0x3b: {  	v7 =	vld.idx.msk [tilespmem:v7+s4+$0x0], $0xffff  }
0x3c: {  	v8 =	vld.idx.msk [tilespmem:v8+s4+$0x0], $0xffff  }
0x3d: {  	v9 =	vld.idx.msk [tilespmem:v9+s4+$0x0], $0xffff  }
0x3e: {  	v10 =	vld.idx.msk [tilespmem:v10+s4+$0x0], $0xffff  }
0x3f: {  	v11 =	vld.idx.msk [tilespmem:v11+s4+$0x0], $0xffff  }
0x40: {  	v12 =	vld.idx.msk [tilespmem:v12+s4+$0x0], $0xffff  }
0x41: {  	v15 =	vld.idx.msk [tilespmem:v0+s4+$0x0], $0xffff  }
0x42: {  	v0 =	vld [tilespmem:s19+$0x20]  }
0x43: {  	v13 =	vld.idx.msk [tilespmem:v13+s4+$0x0], $0xffff  }
0x44: {  	v14 =	vld.idx.msk [tilespmem:v14+s4+$0x0], $0xffff  }
0x45: {  	v16 =	vld.idx.msk [tilespmem:v16+s4+$0x0], $0xffff  }
0x46: {  	v17 =	vld.idx.msk [tilespmem:v17+s4+$0x0], $0xffff;
	v1 =	vadd.f32 v2, v1  }
0x47: {  	v2 =	vadd.f32 v4, v3;
	v4 =	vadd.f32 v8, v7;
	v7 =	vld.idx.msk [tilespmem:v18+s4+$0x0], $0xffff  }
0x48: {  	v3 =	vadd.f32 v6, v5;
	v8 =	vld.idx.msk [tilespmem:v21+s4+$0x0], $0xffff  }
0x49: {  	v5 =	vadd.f32 v10, v9;
	v6 =	vadd.f32 v12, v11;
	v9 =	vld.idx.msk [tilespmem:v23+s4+$0x0], $0xffff  }
0x4a: {  	s21 =	simm.s32 $0x200;
	v10 =	vld.idx.msk [tilespmem:v24+s4+$0x0], $0xffff;
	v1 =	vadd.f32 v2, v1  }
0x4b: {  	s22 =	simm.s32 $0x180;
	s28 =	sand.u32 $0x7800, s21;
	v11 =	vld.idx.msk [tilespmem:v25+s4+$0x0], $0xffff;
	v3 =	vadd.f32 v4, v3;
	v4 =	vadd.f32 v6, v5  }
0x4c: {  	s30 =	sand.u32 $0x380, s22;
	s29 =	sor.u32 $0x480, s28;
	v2 =	vld.idx.msk [tilespmem:v19+s4+$0x0], $0xffff;
	v6 =	vsel vm0, $0x0, v15  }
0x4d: {  	s23 =	sadd.s32 s30, s29;
	v5 =	vld.idx.msk [tilespmem:v20+s4+$0x0], $0xffff;
	v1 =	vadd.f32 v3, v1;
	v3 =	vadd.f32 v6, v4  }
0x4e: {  	v15 =	vld [tilespmem:s23+$0x0]  }
0x4f: {  	v26 =	vld.idx.msk [tilespmem:v0+s4+$0x0], $0xffff;
	v1 =	vadd.f32 v3, v1  }
0x50: {  	v6 =	vld.idx.msk [tilespmem:v22+s4+$0x0], $0xffff  }
0x51: {  	v0 =	vld [tilespmem:$0x400];
	(xrf2) =	vadd.scan.msk.f32 $0xffff, v1  }
0x52: {  	v4 =	vld [tilespmem:s23+$0x20]  }
0x53: {  	v12 =	vadd.f32 v14, v13;
	v14 =	vadd.f32 v7, v17;
	v7 =	vld [tilespmem:s23+$0x40]  }
0x54: {  	v9 =	vadd.f32 v10, v9;
	v3 =	vld [tilespmem:s23+$0x10];
	v2 =	vadd.f32 v5, v2  }
0x55: {  	v5 =	vld [tilespmem:s23+$0x30];
	v13 =	vadd.f32 v16, v26;
	v8 =	vadd.f32 v6, v8  }
0x56: {  	v1 =	vld [tilespmem:s23+$0x438];
	v2 =	vadd.f32 v2, v14  }
0x57: {  	v6 =	vld [tilespmem:s23+$0x50];
	v10 =	vadd.f32 v13, v12;
	v12 =	vadd.f32 v9, v8  }
0x58: {  	s31 =	simm.s32 $0x1;
	v11 =	vsel vm0, $0x0, v11;
	v8 =	vld [tilespmem:s23+$0x60]  }
0x59: {  	v14 =	vmov s31;
	v9 =	vld [tilespmem:s23+$0x70];
	v2 =	vadd.f32 v2, v10;
	v12 =	vadd.f32 v11, v12  }
0x5a: {  	v10 =	vld [tilespmem:s23+$0x400]  }
0x5b: {  	s24 =	simm.s32 $0x100;
	v11 =	vld [tilespmem:s23+$0x410];
	v2 =	vadd.f32 v12, v2;
	v13, _, _ =	vpop (xrf2)  }
0x5c: {  	s24 =	sand.u32 $0x300, s24;
	v12 =	vld [tilespmem:s23+$0x420];
	v63 =	vadd.f32 v13, v0  }
0x5d: {  	s24 =	sor.u32 s24, s29;
	(xrf2) =	vadd.scan.msk.f32 $0xffff, v2;
	v2 =	vld.idx.msk [tilespmem:v15+s4+$0x0], $0xffff  }
0x5e: {  	s20 =	simm.s32 $0x0;
	s19 =	simm.s32 $0x2;
	v13 =	vld [tilespmem:s23+$0x430];
	s23 =	simm.s32 $0x4;
	[tilespmem:v14+s16+$0x0] =	vst.idx.msk vm1, v63  }
.LBB2_2:
0x5f: {  	p0 =	slt.u32 s23, $0x7E;
	v3 =	vld.idx.msk [tilespmem:v3+s4+$0x0], $0xffff  }
0x60: {  	v4 =	vld.idx.msk [tilespmem:v4+s4+$0x0], $0xffff  }
0x61: {  	v5 =	vld.idx.msk [tilespmem:v5+s4+$0x0], $0xffff  }
0x62: {  	v14 =	vmov s20;
	s20 =	smov.u32 s19;
	s19 =	smov.u32 s23;
	v7 =	vld.idx.msk [tilespmem:v7+s4+$0x0], $0xffff  }
0x63: {  	v14 =	vand.u32 $0xFFFFFFFE, v14;
	v6 =	vld.idx.msk [tilespmem:v6+s4+$0x0], $0xffff  }
0x64: {  	v14 =	vbroadcast v14, $0x0;
	v8 =	vld.idx.msk [tilespmem:v8+s4+$0x0], $0xffff  }
0x65: {  	v9 =	vld.idx.msk [tilespmem:v9+s4+$0x0], $0xffff  }
0x66: {  	v10 =	vld.idx.msk [tilespmem:v10+s4+$0x0], $0xffff  }
0x67: {  	v11 =	vld.idx.msk [tilespmem:v11+s4+$0x0], $0xffff;
	v15, _, _ =	vpop (xrf2)  }
0x68: {  	v12 =	vld.idx.msk [tilespmem:v12+s4+$0x0], $0xffff;
	v0 =	vadd.f32 v15, v0  }
0x69: {  	v13 =	vld.idx.msk [tilespmem:v13+s4+$0x0], $0xffff  }
0x6a: {  	v15 =	vld [tilespmem:s24+$0x0];
	[tilespmem:v14+s16+$0x0] =	vst.idx.msk vm1, v0  }
0x6b: {  	v0 =	vld [tilespmem:s24+$0x10]  }
0x6c: {  	v1 =	vld.idx.msk [tilespmem:v1+s4+$0x0], $0xffff  }
0x6d: {  	v2 =	vadd.f32 v3, v2;
	v3 =	vadd.f32 v5, v4;
	v14 =	vld [tilespmem:s24+$0x20]  }
0x6e: {  	v5 =	vadd.f32 v6, v7;
	v6 =	vadd.f32 v9, v8;
	v4 =	vld [tilespmem:s24+$0x30]  }
0x6f: {  	v8 =	vadd.f32 v11, v10;
	v9 =	vadd.f32 v13, v12;
	v7 =	vld [tilespmem:s24+$0x40]  }
0x70: {  	v2 =	vadd.f32 v3, v2;
	v10 =	vld [tilespmem:s24+$0x50]  }
0x71: {  	v5 =	vadd.f32 v6, v5;
	v6 =	vadd.f32 v9, v8;
	v3 =	vld [tilespmem:s24+$0x60]  }
0x72: {  	v1 =	vsel vm0, $0x0, v1;
	v8 =	vld [tilespmem:s24+$0x70]  }
0x73: {  	v2 =	vadd.f32 v5, v2;
	v1 =	vadd.f32 v1, v6;
	v9 =	vld [tilespmem:s24+$0x400]  }
0x74: {  	v5 =	vld [tilespmem:s24+$0x410]  }
0x75: {  	v1 =	vadd.f32 v1, v2;
	v6 =	vld [tilespmem:s24+$0x420]  }
0x76: {  	v2 =	vld [tilespmem:s24+$0x430]  }
0x77: {  	v11 =	vld [tilespmem:s24+$0x438];
	(xrf2) =	vadd.scan.msk.f32 $0xffff, v1  }
0x78: {  	v1 =	vld.idx.msk [tilespmem:v15+s4+$0x0], $0xffff  }
0x79: {  	v12 =	vld.idx.msk [tilespmem:v0+s4+$0x0], $0xffff  }
0x7a: {  	v13 =	vld.idx.msk [tilespmem:v14+s4+$0x0], $0xffff  }
0x7b: {  	v4 =	vld.idx.msk [tilespmem:v4+s4+$0x0], $0xffff  }
0x7c: {  	v7 =	vld.idx.msk [tilespmem:v7+s4+$0x0], $0xffff  }
0x7d: {  	v0 =	vld [tilespmem:$0x400]  }
0x7e: {  	s24 =	sadd.s32 $0x1, s20;
	v10 =	vld.idx.msk [tilespmem:v10+s4+$0x0], $0xffff  }
0x7f: {  	v1 =	vadd.f32 v12, v1;
	v12 =	vmov s24;
	v3 =	vld.idx.msk [tilespmem:v3+s4+$0x0], $0xffff  }
0x80: {  	v8 =	vld.idx.msk [tilespmem:v8+s4+$0x0], $0xffff  }
0x81: {  	v4 =	vadd.f32 v4, v13;
	v9 =	vld.idx.msk [tilespmem:v9+s4+$0x0], $0xffff;
	v13, _, _ =	vpop (xrf2)  }
0x82: {  	s21 =	sadd.s32 $0x200, s21;
	v5 =	vld.idx.msk [tilespmem:v5+s4+$0x0], $0xffff;
	v13 =	vadd.f32 v13, v0  }
0x83: {  	s22 =	sadd.s32 $0x100, s22;
	s24 =	sand.u32 $0x7800, s21;
	v14 =	vadd.f32 v4, v1;
	v6 =	vld.idx.msk [tilespmem:v6+s4+$0x0], $0xffff  }
0x84: {  	s25 =	sadd.s32 $0xFFFFFF80, s22;
	s26 =	sand.u32 $0x380, s22;
	s24 =	sor.u32 $0x480, s24;
	v4 =	vadd.f32 v10, v7;
	v2 =	vld.idx.msk [tilespmem:v2+s4+$0x0], $0xffff;
	[tilespmem:v12+s16+$0x0] =	vst.idx.msk vm1, v13  }
0x85: {  	s25 =	sand.u32 $0x300, s25;
	s26 =	sadd.s32 s26, s24;
	v10 =	vld.idx.msk [tilespmem:v11+s4+$0x0], $0xffff  }
0x86: {  	s24 =	sor.u32 s25, s24;
	v7 =	vadd.f32 v8, v3;
	v1 =	vld [tilespmem:s26+$0x438]  }
0x87: {  	v15 =	vld [tilespmem:s26+$0x0]  }
0x88: {  	v8 =	vadd.f32 v5, v9;
	v7 =	vadd.f32 v7, v4;
	v3 =	vld [tilespmem:s26+$0x10]  }
0x89: {  	v4 =	vld [tilespmem:s26+$0x20]  }
0x8a: {  	v2 =	vadd.f32 v2, v6;
	v12 =	vadd.f32 v7, v14;
	v5 =	vld [tilespmem:s26+$0x30]  }
0x8b: {  	v10 =	vsel vm0, $0x0, v10;
	v7 =	vld [tilespmem:s26+$0x40]  }
0x8c: {  	v2 =	vadd.f32 v2, v8;
	v6 =	vld [tilespmem:s26+$0x50]  }
0x8d: {  	v8 =	vld [tilespmem:s26+$0x60]  }
0x8e: {  	v2 =	vadd.f32 v10, v2;
	v9 =	vld [tilespmem:s26+$0x70]  }
.Ltmp0:
0x8f: {  	v10 =	vld [tilespmem:s26+$0x400];
	(pc) =	sbr.rel @p0 .LBB2_2-.Ltmp0, $4  }
0x90: {  	v2 =	vadd.f32 v2, v12;
	v11 =	vld [tilespmem:s26+$0x410]  }
0x91: {  	v12 =	vld [tilespmem:s26+$0x420]  }
0x92: {  	v13 =	vld [tilespmem:s26+$0x430];
	(xrf2) =	vadd.scan.msk.f32 $0xffff, v2  }
0x93: {  	s23 =	sadd.s32 $0x2, s23;
	v2 =	vld.idx.msk [tilespmem:v15+s4+$0x0], $0xffff  }
0x94: {  	_ =	sdelay $0x3  }
0x95: {  	v3 =	vld.idx.msk [tilespmem:v3+s4+$0x0], $0xffff  }
0x96: {  	v4 =	vld.idx.msk [tilespmem:v4+s4+$0x0], $0xffff  }
0x97: {  	v5 =	vld.idx.msk [tilespmem:v5+s4+$0x0], $0xffff  }
0x98: {  	v7 =	vld.idx.msk [tilespmem:v7+s4+$0x0], $0xffff  }
0x99: {  	v6 =	vld.idx.msk [tilespmem:v6+s4+$0x0], $0xffff  }
0x9a: {  	v8 =	vld.idx.msk [tilespmem:v8+s4+$0x0], $0xffff  }
0x9b: {  	v9 =	vld.idx.msk [tilespmem:v9+s4+$0x0], $0xffff  }
0x9c: {  	v10 =	vld.idx.msk [tilespmem:v10+s4+$0x0], $0xffff  }
0x9d: {  	v14 =	vld [tilespmem:s24+$0x0]  }
0x9e: {  	v15 =	vld [tilespmem:s24+$0x10]  }
0x9f: {  	v16 =	vld [tilespmem:s24+$0x20]  }
0xa0: {  	v17 =	vld [tilespmem:s24+$0x30]  }
0xa1: {  	v18 =	vld [tilespmem:s24+$0x40]  }
0xa2: {  	v19 =	vld [tilespmem:s24+$0x50]  }
0xa3: {  	v20 =	vld [tilespmem:s24+$0x60]  }
0xa4: {  	v21 =	vld [tilespmem:s24+$0x70]  }
0xa5: {  	v22 =	vld [tilespmem:s24+$0x400]  }
0xa6: {  	v23 =	vld [tilespmem:s24+$0x410]  }
0xa7: {  	v24 =	vld [tilespmem:s24+$0x420]  }
0xa8: {  	v25 =	vld [tilespmem:s24+$0x430]  }
0xa9: {  	v26 =	vld [tilespmem:s24+$0x438]  }
0xaa: {  	v11 =	vld.idx.msk [tilespmem:v11+s4+$0x0], $0xffff  }
0xab: {  	v12 =	vld.idx.msk [tilespmem:v12+s4+$0x0], $0xffff  }
0xac: {  	v13 =	vld.idx.msk [tilespmem:v13+s4+$0x0], $0xffff  }
0xad: {  	v14 =	vld.idx.msk [tilespmem:v14+s4+$0x0], $0xffff  }
0xae: {  	v15 =	vld.idx.msk [tilespmem:v15+s4+$0x0], $0xffff  }
0xaf: {  	v16 =	vld.idx.msk [tilespmem:v16+s4+$0x0], $0xffff  }
0xb0: {  	v17 =	vld.idx.msk [tilespmem:v17+s4+$0x0], $0xffff  }
0xb1: {  	v18 =	vld.idx.msk [tilespmem:v18+s4+$0x0], $0xffff  }
0xb2: {  	v19 =	vld.idx.msk [tilespmem:v19+s4+$0x0], $0xffff  }
0xb3: {  	v20 =	vld.idx.msk [tilespmem:v20+s4+$0x0], $0xffff  }
0xb4: {  	v21 =	vld.idx.msk [tilespmem:v21+s4+$0x0], $0xffff  }
0xb5: {  	v22 =	vld.idx.msk [tilespmem:v22+s4+$0x0], $0xffff  }
0xb6: {  	v23 =	vld.idx.msk [tilespmem:v23+s4+$0x0], $0xffff  }
0xb7: {  	v2 =	vadd.f32 v3, v2;
	v3 =	vadd.f32 v5, v4;
	v4 =	vld.idx.msk [tilespmem:v24+s4+$0x0], $0xffff  }
0xb8: {  	v5 =	vadd.f32 v6, v7;
	v6 =	vadd.f32 v9, v8;
	v7 =	vld.idx.msk [tilespmem:v25+s4+$0x0], $0xffff  }
0xb9: {  	v8 =	vadd.f32 v11, v10;
	v2 =	vadd.f32 v3, v2  }
0xba: {  	v1 =	vld.idx.msk [tilespmem:v1+s4+$0x0], $0xffff;
	v3 =	vadd.f32 v6, v5;
	v9 =	vadd.f32 v13, v12  }
0xbb: {  	v10 =	vld.idx.msk [tilespmem:v26+s4+$0x0], $0xffff;
	v5 =	vadd.f32 v15, v14;
	v6 =	vadd.f32 v17, v16  }
0xbc: {  	v11 =	vadd.f32 v19, v18;
	v12 =	vadd.f32 v21, v20  }
0xbd: {  	v13 =	vadd.f32 v23, v22;
	v4 =	vadd.f32 v7, v4  }
0xbe: {  	v7 =	vadd.f32 v9, v8;
	v5 =	vadd.f32 v6, v5  }
0xbf: {  	v1 =	vsel vm0, $0x0, v1;
	v6 =	vadd.f32 v12, v11;
	v4 =	vadd.f32 v4, v13  }
0xc0: {  	v2 =	vadd.f32 v3, v2;
	v3 =	vsel vm0, $0x0, v10;
	v1 =	vadd.f32 v1, v7  }
0xc1: {  	v5 =	vadd.f32 v6, v5;
	v3 =	vadd.f32 v3, v4  }
0xc2: {  	v1 =	vadd.f32 v1, v2  }
0xc3: {  	v2 =	vadd.f32 v3, v5  }
0xc4: {  	(xrf2) =	vadd.scan.msk.f32 $0xffff, v1  }
0xc5: {  	(xrf2) =	vadd.scan.msk.f32 $0xffff, v2;
	_ =	sdelay $0x2  }
0xc6: {  	v1 =	vmov s20  }
0xc7: {  	v1 =	vand.u32 $0xFFFFFFFE, v1  }
0xc8: {  	v3 =	vmov s19;
	v1 =	vbroadcast v1, $0x0;
	v2 =	vld [tilespmem:$0x400]  }
0xc9: {  	s24 =	sadd.s32 $0x1, s19;
	v3 =	vand.u32 $0xFFFFFFFE, v3  }
0xca: {  	v4 =	vmov s24;
	v3 =	vbroadcast v3, $0x0  }
0xcb: {  	v5, _, _ =	vpop (xrf2)  }
0xcc: {  	v0 =	vadd.f32 v5, v0;
	v6, _, _ =	vpop (xrf2)  }
0xcd: {  	v5 =	vadd.f32 v6, v2;
	v6, _, _ =	vpop (xrf2)  }
0xce: {  	[tilespmem:v1+s16+$0x0] =	vst.idx.msk vm1, v0;
	v0 =	vadd.f32 v6, v2  }
0xcf: {  	[tilespmem:v4+s16+$0x0] =	vst.idx.msk vm1, v5  }
0xd0: {  	s19 =	simm.s32 $0x0;
	[tilespmem:v3+s16+$0x0] =	vst.idx.msk vm1, v0  }
0xd1: {  	s25 =	simm.s32 $0x80;
	s21 =	sand.u32 $0x7800, s19;
	_ =	swait.ge [sflag:s17], $0x8000  }
0xd2: {  	s20 =	sand.u32 $0x380, s25;
	s21 =	sor.u32 $0x8480, s21;
	[sflag:s17] =	ssyncset.done $0x0  }
0xd3: {  	s20 =	sadd.s32 s20, s21;
	[sflag:s17] =	ssyncadd.s32 $0xFFFF8000  }
0xd4: {  	[tilespmem:s13], [sflag:$0x1] =	stream.linear.gather [hbm4b:s7+s19], $0x8000, $0x38;
	[tilespmem:$0x10680] =	vst v63  }
0xd5: {  	v0 =	vld [tilespmem:s20+$0x438]  }
0xd6: {  	v1 =	vld [tilespmem:s20+$0x0]  }
0xd7: {  	v2 =	vld [tilespmem:s20+$0x10]  }
0xd8: {  	v3 =	vld [tilespmem:s20+$0x20]  }
0xd9: {  	v4 =	vld [tilespmem:s20+$0x30]  }
0xda: {  	v5 =	vld [tilespmem:s20+$0x40]  }
0xdb: {  	v6 =	vld [tilespmem:s20+$0x50]  }
0xdc: {  	v7 =	vld [tilespmem:s20+$0x60]  }
0xdd: {  	v8 =	vld [tilespmem:s20+$0x70]  }
0xde: {  	v9 =	vld [tilespmem:s20+$0x400]  }
0xdf: {  	v10 =	vld [tilespmem:s20+$0x410]  }
0xe0: {  	s26 =	simm.s32 $0x0;
	v11 =	vld [tilespmem:s20+$0x420]  }
0xe1: {  	v12 =	vld [tilespmem:s20+$0x430];
	s20 =	sand.u32 $0x300, s26  }
0xe2: {  	s20 =	sor.u32 s20, s21  }
0xe3: {  	v13 =	vld [tilespmem:s20+$0x0]  }
0xe4: {  	v14 =	vld [tilespmem:s20+$0x10]  }
0xe5: {  	v52 =	vld [tilespmem:s20+$0x30]  }
0xe6: {  	v53 =	vld [tilespmem:s20+$0x40]  }
0xe7: {  	v54 =	vld [tilespmem:s20+$0x50]  }
0xe8: {  	v55 =	vld [tilespmem:s20+$0x60]  }
0xe9: {  	v56 =	vld [tilespmem:s20+$0x70]  }
0xea: {  	v57 =	vld [tilespmem:s20+$0x400]  }
0xeb: {  	v58 =	vld [tilespmem:s20+$0x410]  }
0xec: {  	v59 =	vld [tilespmem:s20+$0x420]  }
0xed: {  	v60 =	vld [tilespmem:s20+$0x430]  }
0xee: {  	v61 =	vld [tilespmem:s20+$0x438]  }
0xef: {  	v1 =	vld.idx.msk [tilespmem:v1+s4+$0x0], $0xffff  }
0xf0: {  	v2 =	vld.idx.msk [tilespmem:v2+s4+$0x0], $0xffff  }
0xf1: {  	v3 =	vld.idx.msk [tilespmem:v3+s4+$0x0], $0xffff  }
0xf2: {  	v4 =	vld.idx.msk [tilespmem:v4+s4+$0x0], $0xffff  }
0xf3: {  	v5 =	vld.idx.msk [tilespmem:v5+s4+$0x0], $0xffff  }
0xf4: {  	v6 =	vld.idx.msk [tilespmem:v6+s4+$0x0], $0xffff  }
0xf5: {  	v7 =	vld.idx.msk [tilespmem:v7+s4+$0x0], $0xffff  }
0xf6: {  	v8 =	vld.idx.msk [tilespmem:v8+s4+$0x0], $0xffff  }
0xf7: {  	v9 =	vld.idx.msk [tilespmem:v9+s4+$0x0], $0xffff  }
0xf8: {  	v10 =	vld.idx.msk [tilespmem:v10+s4+$0x0], $0xffff  }
0xf9: {  	v11 =	vld.idx.msk [tilespmem:v11+s4+$0x0], $0xffff  }
0xfa: {  	v12 =	vld.idx.msk [tilespmem:v12+s4+$0x0], $0xffff  }
0xfb: {  	v15 =	vld.idx.msk [tilespmem:v0+s4+$0x0], $0xffff  }
0xfc: {  	v0 =	vld [tilespmem:s20+$0x20]  }
0xfd: {  	v13 =	vld.idx.msk [tilespmem:v13+s4+$0x0], $0xffff  }
0xfe: {  	v14 =	vld.idx.msk [tilespmem:v14+s4+$0x0], $0xffff  }
0xff: {  	v16 =	vld.idx.msk [tilespmem:v52+s4+$0x0], $0xffff  }
0x100: {  	v17 =	vld.idx.msk [tilespmem:v53+s4+$0x0], $0xffff;
	v1 =	vadd.f32 v2, v1  }
0x101: {  	v2 =	vadd.f32 v4, v3;
	v4 =	vadd.f32 v8, v7;
	v7 =	vld.idx.msk [tilespmem:v54+s4+$0x0], $0xffff  }
0x102: {  	v3 =	vadd.f32 v6, v5;
	v8 =	vld.idx.msk [tilespmem:v57+s4+$0x0], $0xffff  }
0x103: {  	v5 =	vadd.f32 v10, v9;
	v6 =	vadd.f32 v12, v11;
	v9 =	vld.idx.msk [tilespmem:v59+s4+$0x0], $0xffff  }
0x104: {  	s21 =	simm.s32 $0x200;
	v10 =	vld.idx.msk [tilespmem:v60+s4+$0x0], $0xffff;
	v1 =	vadd.f32 v2, v1  }
0x105: {  	s22 =	simm.s32 $0x180;
	s28 =	sand.u32 $0x7800, s21;
	v11 =	vld.idx.msk [tilespmem:v61+s4+$0x0], $0xffff;
	v3 =	vadd.f32 v4, v3;
	v4 =	vadd.f32 v6, v5  }
0x106: {  	s29 =	sand.u32 $0x380, s22;
	s23 =	sor.u32 $0x8480, s28;
	v2 =	vld.idx.msk [tilespmem:v55+s4+$0x0], $0xffff;
	v6 =	vsel vm0, $0x0, v15  }
0x107: {  	s20 =	sadd.s32 s29, s23;
	v5 =	vld.idx.msk [tilespmem:v56+s4+$0x0], $0xffff;
	v1 =	vadd.f32 v3, v1;
	v3 =	vadd.f32 v6, v4  }
0x108: {  	v15 =	vld [tilespmem:s20+$0x0]  }
0x109: {  	v62 =	vld.idx.msk [tilespmem:v0+s4+$0x0], $0xffff;
	v1 =	vadd.f32 v3, v1  }
0x10a: {  	v6 =	vld.idx.msk [tilespmem:v58+s4+$0x0], $0xffff  }
0x10b: {  	v0 =	vld [tilespmem:$0x400];
	(xrf2) =	vadd.scan.msk.f32 $0xffff, v1  }
0x10c: {  	s30 =	simm.s32 $0x1;
	v4 =	vld [tilespmem:s20+$0x20]  }
0x10d: {  	v12 =	vadd.f32 v14, v13;
	v14 =	vadd.f32 v7, v17;
	v7 =	vmov s30;
	v3 =	vld [tilespmem:s20+$0x10]  }
0x10e: {  	v9 =	vadd.f32 v10, v9;
	v10 =	vadd.s32 $0x80, v7;
	v7 =	vld [tilespmem:s20+$0x50];
	v2 =	vadd.f32 v5, v2  }
0x10f: {  	v5 =	vld [tilespmem:s20+$0x30];
	v13 =	vadd.f32 v16, v62;
	v8 =	vadd.f32 v6, v8  }
0x110: {  	v1 =	vld [tilespmem:s20+$0x438];
	v2 =	vadd.f32 v2, v14  }
0x111: {  	v63 =	vbroadcast v10, $0x0;
	v6 =	vld [tilespmem:s20+$0x40];
	v12 =	vadd.f32 v13, v12;
	v10 =	vadd.f32 v9, v8  }
0x112: {  	v11 =	vsel vm0, $0x0, v11;
	v8 =	vld [tilespmem:s20+$0x60]  }
0x113: {  	v9 =	vld [tilespmem:s20+$0x70];
	v2 =	vadd.f32 v2, v12;
	v12 =	vadd.f32 v11, v10  }
0x114: {  	v10 =	vld [tilespmem:s20+$0x400]  }
0x115: {  	v11 =	vld [tilespmem:s20+$0x410];
	v2 =	vadd.f32 v12, v2;
	v13, _, _ =	vpop (xrf2)  }
0x116: {  	s31 =	simm.s32 $0x100;
	v12 =	vld [tilespmem:s20+$0x420];
	v14 =	vadd.f32 v13, v0  }
0x117: {  	s24 =	sand.u32 $0x300, s31;
	(xrf2) =	vadd.scan.msk.f32 $0xffff, v2;
	v2 =	vld.idx.msk [tilespmem:v15+s4+$0x0], $0xffff  }
0x118: {  	s24 =	sor.u32 s24, s23;
	s23 =	simm.s32 $0x4;
	v13 =	vld [tilespmem:s20+$0x430];
	s20 =	simm.s32 $0x2;
	[tilespmem:v63+s16+$0x0] =	vst.idx.msk vm1, v14  }
.LBB2_4:
0x119: {  	p0 =	slt.u32 s23, $0x7E;
	v3 =	vld.idx.msk [tilespmem:v3+s4+$0x0], $0xffff  }
0x11a: {  	v4 =	vld.idx.msk [tilespmem:v4+s4+$0x0], $0xffff  }
0x11b: {  	v14 =	vmov s19;
	s19 =	smov.u32 s20;
	s20 =	smov.u32 s23;
	v5 =	vld.idx.msk [tilespmem:v5+s4+$0x0], $0xffff  }
0x11c: {  	v14 =	vadd.s32 $0x80, v14;
	v6 =	vld.idx.msk [tilespmem:v6+s4+$0x0], $0xffff  }
0x11d: {  	v14 =	vand.u32 $0xFFFFFFFE, v14;
	v7 =	vld.idx.msk [tilespmem:v7+s4+$0x0], $0xffff  }
0x11e: {  	v14 =	vbroadcast v14, $0x0;
	v8 =	vld.idx.msk [tilespmem:v8+s4+$0x0], $0xffff  }
0x11f: {  	v9 =	vld.idx.msk [tilespmem:v9+s4+$0x0], $0xffff  }
0x120: {  	v10 =	vld.idx.msk [tilespmem:v10+s4+$0x0], $0xffff  }
0x121: {  	v11 =	vld.idx.msk [tilespmem:v11+s4+$0x0], $0xffff;
	v15, _, _ =	vpop (xrf2)  }
0x122: {  	v12 =	vld.idx.msk [tilespmem:v12+s4+$0x0], $0xffff;
	v0 =	vadd.f32 v15, v0  }
0x123: {  	v13 =	vld.idx.msk [tilespmem:v13+s4+$0x0], $0xffff  }
0x124: {  	v15 =	vld [tilespmem:s24+$0x0];
	[tilespmem:v14+s16+$0x0] =	vst.idx.msk vm1, v0  }
0x125: {  	v0 =	vld [tilespmem:s24+$0x10]  }
0x126: {  	v1 =	vld.idx.msk [tilespmem:v1+s4+$0x0], $0xffff  }
0x127: {  	v2 =	vadd.f32 v3, v2;
	v3 =	vadd.f32 v5, v4;
	v14 =	vld [tilespmem:s24+$0x20]  }
0x128: {  	v5 =	vadd.f32 v7, v6;
	v6 =	vadd.f32 v9, v8;
	v4 =	vld [tilespmem:s24+$0x30]  }
0x129: {  	v8 =	vadd.f32 v11, v10;
	v9 =	vadd.f32 v13, v12;
	v7 =	vld [tilespmem:s24+$0x40]  }
0x12a: {  	v2 =	vadd.f32 v3, v2;
	v10 =	vld [tilespmem:s24+$0x50]  }
0x12b: {  	v5 =	vadd.f32 v6, v5;
	v6 =	vadd.f32 v9, v8;
	v3 =	vld [tilespmem:s24+$0x60]  }
0x12c: {  	v1 =	vsel vm0, $0x0, v1;
	v8 =	vld [tilespmem:s24+$0x70]  }
0x12d: {  	v2 =	vadd.f32 v5, v2;
	v1 =	vadd.f32 v1, v6;
	v9 =	vld [tilespmem:s24+$0x400]  }
0x12e: {  	v5 =	vld [tilespmem:s24+$0x410]  }
0x12f: {  	v1 =	vadd.f32 v1, v2;
	v6 =	vld [tilespmem:s24+$0x420]  }
0x130: {  	v2 =	vld [tilespmem:s24+$0x430]  }
0x131: {  	v11 =	vld [tilespmem:s24+$0x438];
	(xrf2) =	vadd.scan.msk.f32 $0xffff, v1  }
0x132: {  	v1 =	vld.idx.msk [tilespmem:v15+s4+$0x0], $0xffff  }
0x133: {  	v12 =	vld.idx.msk [tilespmem:v0+s4+$0x0], $0xffff  }
0x134: {  	v13 =	vld.idx.msk [tilespmem:v14+s4+$0x0], $0xffff  }
0x135: {  	s24 =	sadd.s32 $0x1, s19;
	v4 =	vld.idx.msk [tilespmem:v4+s4+$0x0], $0xffff  }
0x136: {  	v14 =	vmov s24;
	v7 =	vld.idx.msk [tilespmem:v7+s4+$0x0], $0xffff  }
0x137: {  	v14 =	vadd.s32 $0x80, v14;
	v0 =	vld [tilespmem:$0x400]  }
0x138: {  	v14 =	vbroadcast v14, $0x0;
	v10 =	vld.idx.msk [tilespmem:v10+s4+$0x0], $0xffff  }
0x139: {  	v1 =	vadd.f32 v12, v1;
	v3 =	vld.idx.msk [tilespmem:v3+s4+$0x0], $0xffff  }
0x13a: {  	v8 =	vld.idx.msk [tilespmem:v8+s4+$0x0], $0xffff  }
0x13b: {  	v4 =	vadd.f32 v4, v13;
	v9 =	vld.idx.msk [tilespmem:v9+s4+$0x0], $0xffff;
	v12, _, _ =	vpop (xrf2)  }
0x13c: {  	s21 =	sadd.s32 $0x200, s21;
	v5 =	vld.idx.msk [tilespmem:v5+s4+$0x0], $0xffff;
	v12 =	vadd.f32 v12, v0  }
0x13d: {  	s22 =	sadd.s32 $0x100, s22;
	s24 =	sand.u32 $0x7800, s21;
	v13 =	vadd.f32 v4, v1;
	v6 =	vld.idx.msk [tilespmem:v6+s4+$0x0], $0xffff  }
0x13e: {  	s25 =	sadd.s32 $0xFFFFFF80, s22;
	s26 =	sand.u32 $0x380, s22;
	s24 =	sor.u32 $0x8480, s24;
	v4 =	vadd.f32 v10, v7;
	v2 =	vld.idx.msk [tilespmem:v2+s4+$0x0], $0xffff;
	[tilespmem:v14+s16+$0x0] =	vst.idx.msk vm1, v12  }
0x13f: {  	s25 =	sand.u32 $0x300, s25;
	s26 =	sadd.s32 s26, s24;
	v7 =	vld.idx.msk [tilespmem:v11+s4+$0x0], $0xffff  }
0x140: {  	s24 =	sor.u32 s25, s24;
	v8 =	vadd.f32 v8, v3;
	v1 =	vld [tilespmem:s26+$0x438]  }
0x141: {  	v14 =	vld [tilespmem:s26+$0x0]  }
0x142: {  	v9 =	vadd.f32 v5, v9;
	v8 =	vadd.f32 v8, v4;
	v3 =	vld [tilespmem:s26+$0x10]  }
0x143: {  	v4 =	vld [tilespmem:s26+$0x20]  }
0x144: {  	v2 =	vadd.f32 v2, v6;
	v12 =	vadd.f32 v8, v13;
	v5 =	vld [tilespmem:s26+$0x30]  }
0x145: {  	v10 =	vsel vm0, $0x0, v7;
	v6 =	vld [tilespmem:s26+$0x40]  }
0x146: {  	v2 =	vadd.f32 v2, v9;
	v7 =	vld [tilespmem:s26+$0x50]  }
0x147: {  	v8 =	vld [tilespmem:s26+$0x60]  }
0x148: {  	v2 =	vadd.f32 v10, v2;
	v9 =	vld [tilespmem:s26+$0x70]  }
.Ltmp1:
0x149: {  	v10 =	vld [tilespmem:s26+$0x400];
	(pc) =	sbr.rel @p0 .LBB2_4-.Ltmp1, $4  }
0x14a: {  	v2 =	vadd.f32 v2, v12;
	v11 =	vld [tilespmem:s26+$0x410]  }
0x14b: {  	v12 =	vld [tilespmem:s26+$0x420]  }
0x14c: {  	v13 =	vld [tilespmem:s26+$0x430];
	(xrf2) =	vadd.scan.msk.f32 $0xffff, v2  }
0x14d: {  	s23 =	sadd.s32 $0x2, s23;
	v2 =	vld.idx.msk [tilespmem:v14+s4+$0x0], $0xffff  }
0x14e: {  	_ =	sdelay $0x3  }
0x14f: {  	v3 =	vld.idx.msk [tilespmem:v3+s4+$0x0], $0xffff  }
0x150: {  	v4 =	vld.idx.msk [tilespmem:v4+s4+$0x0], $0xffff  }
0x151: {  	v5 =	vld.idx.msk [tilespmem:v5+s4+$0x0], $0xffff  }
0x152: {  	v6 =	vld.idx.msk [tilespmem:v6+s4+$0x0], $0xffff  }
0x153: {  	v7 =	vld.idx.msk [tilespmem:v7+s4+$0x0], $0xffff  }
0x154: {  	v8 =	vld.idx.msk [tilespmem:v8+s4+$0x0], $0xffff  }
0x155: {  	v9 =	vld.idx.msk [tilespmem:v9+s4+$0x0], $0xffff  }
0x156: {  	v10 =	vld.idx.msk [tilespmem:v10+s4+$0x0], $0xffff  }
0x157: {  	v14 =	vld [tilespmem:s24+$0x0]  }
0x158: {  	v15 =	vld [tilespmem:s24+$0x10]  }
0x159: {  	v16 =	vld [tilespmem:s24+$0x20]  }
0x15a: {  	v17 =	vld [tilespmem:s24+$0x30]  }
0x15b: {  	v18 =	vld [tilespmem:s24+$0x40]  }
0x15c: {  	v19 =	vld [tilespmem:s24+$0x50]  }
0x15d: {  	v20 =	vld [tilespmem:s24+$0x60]  }
0x15e: {  	v21 =	vld [tilespmem:s24+$0x70]  }
0x15f: {  	v22 =	vld [tilespmem:s24+$0x400]  }
0x160: {  	v23 =	vld [tilespmem:s24+$0x410]  }
0x161: {  	v24 =	vld [tilespmem:s24+$0x420]  }
0x162: {  	v25 =	vld [tilespmem:s24+$0x430]  }
0x163: {  	v26 =	vld [tilespmem:s24+$0x438]  }
0x164: {  	v11 =	vld.idx.msk [tilespmem:v11+s4+$0x0], $0xffff  }
0x165: {  	v12 =	vld.idx.msk [tilespmem:v12+s4+$0x0], $0xffff  }
0x166: {  	v13 =	vld.idx.msk [tilespmem:v13+s4+$0x0], $0xffff  }
0x167: {  	v14 =	vld.idx.msk [tilespmem:v14+s4+$0x0], $0xffff  }
0x168: {  	v15 =	vld.idx.msk [tilespmem:v15+s4+$0x0], $0xffff  }
0x169: {  	v16 =	vld.idx.msk [tilespmem:v16+s4+$0x0], $0xffff  }
0x16a: {  	v17 =	vld.idx.msk [tilespmem:v17+s4+$0x0], $0xffff  }
0x16b: {  	v18 =	vld.idx.msk [tilespmem:v18+s4+$0x0], $0xffff  }
0x16c: {  	v19 =	vld.idx.msk [tilespmem:v19+s4+$0x0], $0xffff  }
0x16d: {  	v20 =	vld.idx.msk [tilespmem:v20+s4+$0x0], $0xffff  }
0x16e: {  	v21 =	vld.idx.msk [tilespmem:v21+s4+$0x0], $0xffff  }
0x16f: {  	v22 =	vld.idx.msk [tilespmem:v22+s4+$0x0], $0xffff  }
0x170: {  	v23 =	vld.idx.msk [tilespmem:v23+s4+$0x0], $0xffff  }
0x171: {  	v2 =	vadd.f32 v3, v2;
	v3 =	vadd.f32 v5, v4;
	v4 =	vld.idx.msk [tilespmem:v24+s4+$0x0], $0xffff  }
0x172: {  	v5 =	vadd.f32 v7, v6;
	v6 =	vadd.f32 v9, v8;
	v7 =	vld.idx.msk [tilespmem:v25+s4+$0x0], $0xffff  }
0x173: {  	v8 =	vadd.f32 v11, v10;
	v2 =	vadd.f32 v3, v2  }
0x174: {  	v1 =	vld.idx.msk [tilespmem:v1+s4+$0x0], $0xffff;
	v3 =	vadd.f32 v6, v5;
	v9 =	vadd.f32 v13, v12  }
0x175: {  	v10 =	vld.idx.msk [tilespmem:v26+s4+$0x0], $0xffff;
	v5 =	vadd.f32 v15, v14;
	v6 =	vadd.f32 v17, v16  }
0x176: {  	v11 =	vadd.f32 v19, v18;
	v12 =	vadd.f32 v21, v20  }
0x177: {  	v13 =	vadd.f32 v23, v22;
	v4 =	vadd.f32 v7, v4  }
0x178: {  	v7 =	vadd.f32 v9, v8;
	v5 =	vadd.f32 v6, v5  }
0x179: {  	v1 =	vsel vm0, $0x0, v1;
	v6 =	vadd.f32 v12, v11;
	v4 =	vadd.f32 v4, v13  }
0x17a: {  	v2 =	vadd.f32 v3, v2;
	v3 =	vsel vm0, $0x0, v10;
	v1 =	vadd.f32 v1, v7  }
0x17b: {  	v5 =	vadd.f32 v6, v5;
	v3 =	vadd.f32 v3, v4  }
0x17c: {  	v1 =	vadd.f32 v1, v2  }
0x17d: {  	v2 =	vadd.f32 v3, v5  }
0x17e: {  	(xrf2) =	vadd.scan.msk.f32 $0xffff, v1  }
0x17f: {  	(xrf2) =	vadd.scan.msk.f32 $0xffff, v2;
	_ =	sdelay $0x1  }
0x180: {  	v1 =	vmov s19  }
0x181: {  	s24 =	sadd.s32 $0x1, s20;
	v1 =	vadd.s32 $0x80, v1  }
0x182: {  	v3 =	vmov s20;
	v1 =	vand.u32 $0xFFFFFFFE, v1;
	v2 =	vmov s24  }
0x183: {  	v4 =	vld [tilespmem:$0x400];
	v3 =	vadd.s32 $0x80, v3;
	v1 =	vbroadcast v1, $0x0;
	v2 =	vadd.s32 $0x80, v2  }
0x184: {  	v3 =	vand.u32 $0xFFFFFFFE, v3;
	v2 =	vbroadcast v2, $0x0  }
0x185: {  	v3 =	vbroadcast v3, $0x0  }
0x186: {  	v5, _, _ =	vpop (xrf2)  }
0x187: {  	v0 =	vadd.f32 v5, v0;
	v6, _, _ =	vpop (xrf2)  }
0x188: {  	v5 =	vadd.f32 v6, v4;
	v6, _, _ =	vpop (xrf2)  }
0x189: {  	[tilespmem:v1+s16+$0x0] =	vst.idx.msk vm1, v0;
	v0 =	vadd.f32 v6, v4  }
0x18a: {  	[tilespmem:v2+s16+$0x0] =	vst.idx.msk vm1, v5  }
0x18b: {  	s19 =	simm.s32 $0x0;
	[tilespmem:v3+s16+$0x0] =	vst.idx.msk vm1, v0  }
0x18c: {  	s25 =	simm.s32 $0x80;
	s21 =	sand.u32 $0x7800, s19;
	_ =	swait.ge [sflag:s14], $0x8000  }
0x18d: {  	s20 =	sand.u32 $0x380, s25;
	s21 =	sor.u32 $0x480, s21;
	[sflag:s14] =	ssyncset.done $0x0  }
0x18e: {  	s20 =	sadd.s32 s20, s21;
	[sflag:s14] =	ssyncadd.s32 $0xFFFF8000  }
0x18f: {  	[tilespmem:s15], [sflag:$0x2] =	stream.linear.gather [hbm4b:s8+s19], $0x8000, $0x38;
	[tilespmem:$0x10680] =	vst v63  }
0x190: {  	v0 =	vld [tilespmem:s20+$0x438]  }
0x191: {  	v1 =	vld [tilespmem:s20+$0x0]  }
0x192: {  	v2 =	vld [tilespmem:s20+$0x10]  }
0x193: {  	v3 =	vld [tilespmem:s20+$0x20]  }
0x194: {  	v4 =	vld [tilespmem:s20+$0x30]  }
0x195: {  	v5 =	vld [tilespmem:s20+$0x40]  }
0x196: {  	v6 =	vld [tilespmem:s20+$0x50]  }
0x197: {  	v7 =	vld [tilespmem:s20+$0x60]  }
0x198: {  	v8 =	vld [tilespmem:s20+$0x70]  }
0x199: {  	v9 =	vld [tilespmem:s20+$0x400]  }
0x19a: {  	v10 =	vld [tilespmem:s20+$0x410]  }
0x19b: {  	s26 =	simm.s32 $0x0;
	v11 =	vld [tilespmem:s20+$0x420]  }
0x19c: {  	v12 =	vld [tilespmem:s20+$0x430];
	s20 =	sand.u32 $0x300, s26  }
0x19d: {  	s20 =	sor.u32 s20, s21  }
0x19e: {  	v13 =	vld [tilespmem:s20+$0x0]  }
0x19f: {  	v14 =	vld [tilespmem:s20+$0x10]  }
0x1a0: {  	v52 =	vld [tilespmem:s20+$0x30]  }
0x1a1: {  	v53 =	vld [tilespmem:s20+$0x40]  }
0x1a2: {  	v54 =	vld [tilespmem:s20+$0x50]  }
0x1a3: {  	v55 =	vld [tilespmem:s20+$0x60]  }
0x1a4: {  	v56 =	vld [tilespmem:s20+$0x70]  }
0x1a5: {  	v57 =	vld [tilespmem:s20+$0x400]  }
0x1a6: {  	v58 =	vld [tilespmem:s20+$0x410]  }
0x1a7: {  	v59 =	vld [tilespmem:s20+$0x420]  }
0x1a8: {  	v60 =	vld [tilespmem:s20+$0x430]  }
0x1a9: {  	v61 =	vld [tilespmem:s20+$0x438]  }
0x1aa: {  	v1 =	vld.idx.msk [tilespmem:v1+s4+$0x0], $0xffff  }
0x1ab: {  	v2 =	vld.idx.msk [tilespmem:v2+s4+$0x0], $0xffff  }
0x1ac: {  	v3 =	vld.idx.msk [tilespmem:v3+s4+$0x0], $0xffff  }
0x1ad: {  	v4 =	vld.idx.msk [tilespmem:v4+s4+$0x0], $0xffff  }
0x1ae: {  	v5 =	vld.idx.msk [tilespmem:v5+s4+$0x0], $0xffff  }
0x1af: {  	v6 =	vld.idx.msk [tilespmem:v6+s4+$0x0], $0xffff  }
0x1b0: {  	v7 =	vld.idx.msk [tilespmem:v7+s4+$0x0], $0xffff  }
0x1b1: {  	v8 =	vld.idx.msk [tilespmem:v8+s4+$0x0], $0xffff  }
0x1b2: {  	v9 =	vld.idx.msk [tilespmem:v9+s4+$0x0], $0xffff  }
0x1b3: {  	v10 =	vld.idx.msk [tilespmem:v10+s4+$0x0], $0xffff  }
0x1b4: {  	v11 =	vld.idx.msk [tilespmem:v11+s4+$0x0], $0xffff  }
0x1b5: {  	v12 =	vld.idx.msk [tilespmem:v12+s4+$0x0], $0xffff  }
0x1b6: {  	v15 =	vld.idx.msk [tilespmem:v0+s4+$0x0], $0xffff  }
0x1b7: {  	v0 =	vld [tilespmem:s20+$0x20]  }
0x1b8: {  	v13 =	vld.idx.msk [tilespmem:v13+s4+$0x0], $0xffff  }
0x1b9: {  	v14 =	vld.idx.msk [tilespmem:v14+s4+$0x0], $0xffff  }
0x1ba: {  	v16 =	vld.idx.msk [tilespmem:v52+s4+$0x0], $0xffff  }
0x1bb: {  	v17 =	vld.idx.msk [tilespmem:v53+s4+$0x0], $0xffff;
	v1 =	vadd.f32 v2, v1  }
0x1bc: {  	v2 =	vadd.f32 v4, v3;
	v4 =	vadd.f32 v8, v7;
	v7 =	vld.idx.msk [tilespmem:v54+s4+$0x0], $0xffff  }
0x1bd: {  	v3 =	vadd.f32 v6, v5;
	v8 =	vld.idx.msk [tilespmem:v57+s4+$0x0], $0xffff  }
0x1be: {  	v5 =	vadd.f32 v10, v9;
	v6 =	vadd.f32 v12, v11;
	v9 =	vld.idx.msk [tilespmem:v59+s4+$0x0], $0xffff  }
0x1bf: {  	s21 =	simm.s32 $0x200;
	v10 =	vld.idx.msk [tilespmem:v60+s4+$0x0], $0xffff;
	v1 =	vadd.f32 v2, v1  }
0x1c0: {  	s22 =	simm.s32 $0x180;
	s28 =	sand.u32 $0x7800, s21;
	v11 =	vld.idx.msk [tilespmem:v61+s4+$0x0], $0xffff;
	v3 =	vadd.f32 v4, v3;
	v4 =	vadd.f32 v6, v5  }
0x1c1: {  	s29 =	sand.u32 $0x380, s22;
	s23 =	sor.u32 $0x480, s28;
	v2 =	vld.idx.msk [tilespmem:v55+s4+$0x0], $0xffff;
	v6 =	vsel vm0, $0x0, v15  }
0x1c2: {  	s20 =	sadd.s32 s29, s23;
	v5 =	vld.idx.msk [tilespmem:v56+s4+$0x0], $0xffff;
	v1 =	vadd.f32 v3, v1;
	v3 =	vadd.f32 v6, v4  }
0x1c3: {  	v15 =	vld [tilespmem:s20+$0x0]  }
0x1c4: {  	v62 =	vld.idx.msk [tilespmem:v0+s4+$0x0], $0xffff;
	v1 =	vadd.f32 v3, v1  }
0x1c5: {  	v6 =	vld.idx.msk [tilespmem:v58+s4+$0x0], $0xffff  }
0x1c6: {  	v0 =	vld [tilespmem:$0x400];
	(xrf2) =	vadd.scan.msk.f32 $0xffff, v1  }
0x1c7: {  	s30 =	simm.s32 $0x1;
	v4 =	vld [tilespmem:s20+$0x20]  }
0x1c8: {  	v12 =	vadd.f32 v14, v13;
	v14 =	vadd.f32 v7, v17;
	v7 =	vmov s30;
	v3 =	vld [tilespmem:s20+$0x10]  }
0x1c9: {  	v9 =	vadd.f32 v10, v9;
	v10 =	vadd.s32 $0x100, v7;
	v7 =	vld [tilespmem:s20+$0x50];
	v2 =	vadd.f32 v5, v2  }
0x1ca: {  	v5 =	vld [tilespmem:s20+$0x30];
	v13 =	vadd.f32 v16, v62;
	v8 =	vadd.f32 v6, v8  }
0x1cb: {  	v1 =	vld [tilespmem:s20+$0x438];
	v2 =	vadd.f32 v2, v14  }
0x1cc: {  	v63 =	vbroadcast v10, $0x0;
	v6 =	vld [tilespmem:s20+$0x40];
	v12 =	vadd.f32 v13, v12;
	v10 =	vadd.f32 v9, v8  }
0x1cd: {  	v11 =	vsel vm0, $0x0, v11;
	v8 =	vld [tilespmem:s20+$0x60]  }
0x1ce: {  	v9 =	vld [tilespmem:s20+$0x70];
	v2 =	vadd.f32 v2, v12;
	v12 =	vadd.f32 v11, v10  }
0x1cf: {  	v10 =	vld [tilespmem:s20+$0x400]  }
0x1d0: {  	v11 =	vld [tilespmem:s20+$0x410];
	v2 =	vadd.f32 v12, v2;
	v13, _, _ =	vpop (xrf2)  }
0x1d1: {  	s31 =	simm.s32 $0x100;
	v12 =	vld [tilespmem:s20+$0x420];
	v14 =	vadd.f32 v13, v0  }
0x1d2: {  	s24 =	sand.u32 $0x300, s31;
	(xrf2) =	vadd.scan.msk.f32 $0xffff, v2;
	v2 =	vld.idx.msk [tilespmem:v15+s4+$0x0], $0xffff  }
0x1d3: {  	s24 =	sor.u32 s24, s23;
	s23 =	simm.s32 $0x4;
	v13 =	vld [tilespmem:s20+$0x430];
	s20 =	simm.s32 $0x2;
	[tilespmem:v63+s16+$0x0] =	vst.idx.msk vm1, v14  }
.LBB2_6:
0x1d4: {  	p0 =	slt.u32 s23, $0x7E;
	v3 =	vld.idx.msk [tilespmem:v3+s4+$0x0], $0xffff  }
0x1d5: {  	v4 =	vld.idx.msk [tilespmem:v4+s4+$0x0], $0xffff  }
0x1d6: {  	v14 =	vmov s19;
	s19 =	smov.u32 s20;
	s20 =	smov.u32 s23;
	v5 =	vld.idx.msk [tilespmem:v5+s4+$0x0], $0xffff  }
0x1d7: {  	v14 =	vadd.s32 $0x100, v14;
	v6 =	vld.idx.msk [tilespmem:v6+s4+$0x0], $0xffff  }
0x1d8: {  	v14 =	vand.u32 $0xFFFFFFFE, v14;
	v7 =	vld.idx.msk [tilespmem:v7+s4+$0x0], $0xffff  }
0x1d9: {  	v14 =	vbroadcast v14, $0x0;
	v8 =	vld.idx.msk [tilespmem:v8+s4+$0x0], $0xffff  }
0x1da: {  	v9 =	vld.idx.msk [tilespmem:v9+s4+$0x0], $0xffff  }
0x1db: {  	v10 =	vld.idx.msk [tilespmem:v10+s4+$0x0], $0xffff  }
0x1dc: {  	v11 =	vld.idx.msk [tilespmem:v11+s4+$0x0], $0xffff;
	v15, _, _ =	vpop (xrf2)  }
0x1dd: {  	v12 =	vld.idx.msk [tilespmem:v12+s4+$0x0], $0xffff;
	v0 =	vadd.f32 v15, v0  }
0x1de: {  	v13 =	vld.idx.msk [tilespmem:v13+s4+$0x0], $0xffff  }
0x1df: {  	v15 =	vld [tilespmem:s24+$0x0];
	[tilespmem:v14+s16+$0x0] =	vst.idx.msk vm1, v0  }
0x1e0: {  	v0 =	vld [tilespmem:s24+$0x10]  }
0x1e1: {  	v1 =	vld.idx.msk [tilespmem:v1+s4+$0x0], $0xffff  }
0x1e2: {  	v2 =	vadd.f32 v3, v2;
	v3 =	vadd.f32 v5, v4;
	v14 =	vld [tilespmem:s24+$0x20]  }
0x1e3: {  	v5 =	vadd.f32 v7, v6;
	v6 =	vadd.f32 v9, v8;
	v4 =	vld [tilespmem:s24+$0x30]  }
0x1e4: {  	v8 =	vadd.f32 v11, v10;
	v9 =	vadd.f32 v13, v12;
	v7 =	vld [tilespmem:s24+$0x40]  }
0x1e5: {  	v2 =	vadd.f32 v3, v2;
	v10 =	vld [tilespmem:s24+$0x50]  }
0x1e6: {  	v5 =	vadd.f32 v6, v5;
	v6 =	vadd.f32 v9, v8;
	v3 =	vld [tilespmem:s24+$0x60]  }
0x1e7: {  	v1 =	vsel vm0, $0x0, v1;
	v8 =	vld [tilespmem:s24+$0x70]  }
0x1e8: {  	v2 =	vadd.f32 v5, v2;
	v1 =	vadd.f32 v1, v6;
	v9 =	vld [tilespmem:s24+$0x400]  }
0x1e9: {  	v5 =	vld [tilespmem:s24+$0x410]  }
0x1ea: {  	v1 =	vadd.f32 v1, v2;
	v6 =	vld [tilespmem:s24+$0x420]  }
0x1eb: {  	v2 =	vld [tilespmem:s24+$0x430]  }
0x1ec: {  	v11 =	vld [tilespmem:s24+$0x438];
	(xrf2) =	vadd.scan.msk.f32 $0xffff, v1  }
0x1ed: {  	v1 =	vld.idx.msk [tilespmem:v15+s4+$0x0], $0xffff  }
0x1ee: {  	v12 =	vld.idx.msk [tilespmem:v0+s4+$0x0], $0xffff  }
0x1ef: {  	v13 =	vld.idx.msk [tilespmem:v14+s4+$0x0], $0xffff  }
0x1f0: {  	s24 =	sadd.s32 $0x1, s19;
	v4 =	vld.idx.msk [tilespmem:v4+s4+$0x0], $0xffff  }
0x1f1: {  	v14 =	vmov s24;
	v7 =	vld.idx.msk [tilespmem:v7+s4+$0x0], $0xffff  }
0x1f2: {  	v14 =	vadd.s32 $0x100, v14;
	v0 =	vld [tilespmem:$0x400]  }
0x1f3: {  	v14 =	vbroadcast v14, $0x0;
	v10 =	vld.idx.msk [tilespmem:v10+s4+$0x0], $0xffff  }
0x1f4: {  	v1 =	vadd.f32 v12, v1;
	v3 =	vld.idx.msk [tilespmem:v3+s4+$0x0], $0xffff  }
0x1f5: {  	v8 =	vld.idx.msk [tilespmem:v8+s4+$0x0], $0xffff  }
0x1f6: {  	v4 =	vadd.f32 v4, v13;
	v9 =	vld.idx.msk [tilespmem:v9+s4+$0x0], $0xffff;
	v12, _, _ =	vpop (xrf2)  }
0x1f7: {  	s21 =	sadd.s32 $0x200, s21;
	v5 =	vld.idx.msk [tilespmem:v5+s4+$0x0], $0xffff;
	v12 =	vadd.f32 v12, v0  }
0x1f8: {  	s22 =	sadd.s32 $0x100, s22;
	s24 =	sand.u32 $0x7800, s21;
	v13 =	vadd.f32 v4, v1;
	v6 =	vld.idx.msk [tilespmem:v6+s4+$0x0], $0xffff  }
0x1f9: {  	s25 =	sadd.s32 $0xFFFFFF80, s22;
	s26 =	sand.u32 $0x380, s22;
	s24 =	sor.u32 $0x480, s24;
	v4 =	vadd.f32 v10, v7;
	v2 =	vld.idx.msk [tilespmem:v2+s4+$0x0], $0xffff;
	[tilespmem:v14+s16+$0x0] =	vst.idx.msk vm1, v12  }
0x1fa: {  	s25 =	sand.u32 $0x300, s25;
	s26 =	sadd.s32 s26, s24;
	v7 =	vld.idx.msk [tilespmem:v11+s4+$0x0], $0xffff  }
0x1fb: {  	s24 =	sor.u32 s25, s24;
	v8 =	vadd.f32 v8, v3;
	v1 =	vld [tilespmem:s26+$0x438]  }
0x1fc: {  	v14 =	vld [tilespmem:s26+$0x0]  }
0x1fd: {  	v9 =	vadd.f32 v5, v9;
	v8 =	vadd.f32 v8, v4;
	v3 =	vld [tilespmem:s26+$0x10]  }
0x1fe: {  	v4 =	vld [tilespmem:s26+$0x20]  }
0x1ff: {  	v2 =	vadd.f32 v2, v6;
	v12 =	vadd.f32 v8, v13;
	v5 =	vld [tilespmem:s26+$0x30]  }
0x200: {  	v10 =	vsel vm0, $0x0, v7;
	v6 =	vld [tilespmem:s26+$0x40]  }
0x201: {  	v2 =	vadd.f32 v2, v9;
	v7 =	vld [tilespmem:s26+$0x50]  }
0x202: {  	v8 =	vld [tilespmem:s26+$0x60]  }
0x203: {  	v2 =	vadd.f32 v10, v2;
	v9 =	vld [tilespmem:s26+$0x70]  }
.Ltmp2:
0x204: {  	v10 =	vld [tilespmem:s26+$0x400];
	(pc) =	sbr.rel @p0 .LBB2_6-.Ltmp2, $4  }
0x205: {  	v2 =	vadd.f32 v2, v12;
	v11 =	vld [tilespmem:s26+$0x410]  }
0x206: {  	v12 =	vld [tilespmem:s26+$0x420]  }
0x207: {  	v13 =	vld [tilespmem:s26+$0x430];
	(xrf2) =	vadd.scan.msk.f32 $0xffff, v2  }
0x208: {  	s23 =	sadd.s32 $0x2, s23;
	v2 =	vld.idx.msk [tilespmem:v14+s4+$0x0], $0xffff  }
0x209: {  	_ =	sdelay $0x3  }
0x20a: {  	v3 =	vld.idx.msk [tilespmem:v3+s4+$0x0], $0xffff  }
0x20b: {  	v4 =	vld.idx.msk [tilespmem:v4+s4+$0x0], $0xffff  }
0x20c: {  	v5 =	vld.idx.msk [tilespmem:v5+s4+$0x0], $0xffff  }
0x20d: {  	v6 =	vld.idx.msk [tilespmem:v6+s4+$0x0], $0xffff  }
0x20e: {  	v7 =	vld.idx.msk [tilespmem:v7+s4+$0x0], $0xffff  }
0x20f: {  	v8 =	vld.idx.msk [tilespmem:v8+s4+$0x0], $0xffff  }
0x210: {  	v9 =	vld.idx.msk [tilespmem:v9+s4+$0x0], $0xffff  }
0x211: {  	v10 =	vld.idx.msk [tilespmem:v10+s4+$0x0], $0xffff  }
0x212: {  	v14 =	vld [tilespmem:s24+$0x0]  }
0x213: {  	v15 =	vld [tilespmem:s24+$0x10]  }
0x214: {  	v16 =	vld [tilespmem:s24+$0x20]  }
0x215: {  	v17 =	vld [tilespmem:s24+$0x30]  }
0x216: {  	v18 =	vld [tilespmem:s24+$0x40]  }
0x217: {  	v19 =	vld [tilespmem:s24+$0x50]  }
0x218: {  	v20 =	vld [tilespmem:s24+$0x60]  }
0x219: {  	v21 =	vld [tilespmem:s24+$0x70]  }
0x21a: {  	v22 =	vld [tilespmem:s24+$0x400]  }
0x21b: {  	v23 =	vld [tilespmem:s24+$0x410]  }
0x21c: {  	v24 =	vld [tilespmem:s24+$0x420]  }
0x21d: {  	v25 =	vld [tilespmem:s24+$0x430]  }
0x21e: {  	v26 =	vld [tilespmem:s24+$0x438]  }
0x21f: {  	v11 =	vld.idx.msk [tilespmem:v11+s4+$0x0], $0xffff  }
0x220: {  	v12 =	vld.idx.msk [tilespmem:v12+s4+$0x0], $0xffff  }
0x221: {  	v13 =	vld.idx.msk [tilespmem:v13+s4+$0x0], $0xffff  }
0x222: {  	v14 =	vld.idx.msk [tilespmem:v14+s4+$0x0], $0xffff  }
0x223: {  	v15 =	vld.idx.msk [tilespmem:v15+s4+$0x0], $0xffff  }
0x224: {  	v16 =	vld.idx.msk [tilespmem:v16+s4+$0x0], $0xffff  }
0x225: {  	v17 =	vld.idx.msk [tilespmem:v17+s4+$0x0], $0xffff  }
0x226: {  	v18 =	vld.idx.msk [tilespmem:v18+s4+$0x0], $0xffff  }
0x227: {  	v19 =	vld.idx.msk [tilespmem:v19+s4+$0x0], $0xffff  }
0x228: {  	v20 =	vld.idx.msk [tilespmem:v20+s4+$0x0], $0xffff  }
0x229: {  	v21 =	vld.idx.msk [tilespmem:v21+s4+$0x0], $0xffff  }
0x22a: {  	v22 =	vld.idx.msk [tilespmem:v22+s4+$0x0], $0xffff  }
0x22b: {  	v23 =	vld.idx.msk [tilespmem:v23+s4+$0x0], $0xffff  }
0x22c: {  	v2 =	vadd.f32 v3, v2;
	v3 =	vadd.f32 v5, v4;
	v4 =	vld.idx.msk [tilespmem:v24+s4+$0x0], $0xffff  }
0x22d: {  	v5 =	vadd.f32 v7, v6;
	v6 =	vadd.f32 v9, v8;
	v7 =	vld.idx.msk [tilespmem:v25+s4+$0x0], $0xffff  }
0x22e: {  	v8 =	vadd.f32 v11, v10;
	v2 =	vadd.f32 v3, v2  }
0x22f: {  	v1 =	vld.idx.msk [tilespmem:v1+s4+$0x0], $0xffff;
	v3 =	vadd.f32 v6, v5;
	v9 =	vadd.f32 v13, v12  }
0x230: {  	v10 =	vld.idx.msk [tilespmem:v26+s4+$0x0], $0xffff;
	v5 =	vadd.f32 v15, v14;
	v6 =	vadd.f32 v17, v16  }
0x231: {  	v11 =	vadd.f32 v19, v18;
	v12 =	vadd.f32 v21, v20  }
0x232: {  	v13 =	vadd.f32 v23, v22;
	v4 =	vadd.f32 v7, v4  }
0x233: {  	v7 =	vadd.f32 v9, v8;
	v5 =	vadd.f32 v6, v5  }
0x234: {  	v1 =	vsel vm0, $0x0, v1;
	v6 =	vadd.f32 v12, v11;
	v4 =	vadd.f32 v4, v13  }
0x235: {  	v2 =	vadd.f32 v3, v2;
	v3 =	vsel vm0, $0x0, v10;
	v1 =	vadd.f32 v1, v7  }
0x236: {  	v5 =	vadd.f32 v6, v5;
	v3 =	vadd.f32 v3, v4  }
0x237: {  	v1 =	vadd.f32 v1, v2  }
0x238: {  	v2 =	vadd.f32 v3, v5  }
0x239: {  	(xrf2) =	vadd.scan.msk.f32 $0xffff, v1  }
0x23a: {  	(xrf2) =	vadd.scan.msk.f32 $0xffff, v2;
	_ =	sdelay $0x1  }
0x23b: {  	v1 =	vmov s19  }
0x23c: {  	s24 =	sadd.s32 $0x1, s20;
	v1 =	vadd.s32 $0x100, v1  }
0x23d: {  	v3 =	vmov s20;
	v1 =	vand.u32 $0xFFFFFFFE, v1;
	v2 =	vmov s24  }
0x23e: {  	v4 =	vld [tilespmem:$0x400];
	v3 =	vadd.s32 $0x100, v3;
	v1 =	vbroadcast v1, $0x0;
	v2 =	vadd.s32 $0x100, v2  }
0x23f: {  	v3 =	vand.u32 $0xFFFFFFFE, v3;
	v2 =	vbroadcast v2, $0x0  }
0x240: {  	v3 =	vbroadcast v3, $0x0  }
0x241: {  	v5, _, _ =	vpop (xrf2)  }
0x242: {  	v0 =	vadd.f32 v5, v0;
	v6, _, _ =	vpop (xrf2)  }
0x243: {  	v5 =	vadd.f32 v6, v4;
	v6, _, _ =	vpop (xrf2)  }
0x244: {  	[tilespmem:v1+s16+$0x0] =	vst.idx.msk vm1, v0;
	v0 =	vadd.f32 v6, v4  }
0x245: {  	[tilespmem:v2+s16+$0x0] =	vst.idx.msk vm1, v5  }
0x246: {  	s19 =	simm.s32 $0x0;
	[tilespmem:v3+s16+$0x0] =	vst.idx.msk vm1, v0  }
0x247: {  	s25 =	simm.s32 $0x80;
	s21 =	sand.u32 $0x7800, s19;
	_ =	swait.ge [sflag:s17], $0x8000  }
0x248: {  	s20 =	sand.u32 $0x380, s25;
	s21 =	sor.u32 $0x8480, s21;
	[sflag:s17] =	ssyncset.done $0x0  }
0x249: {  	s20 =	sadd.s32 s20, s21;
	[sflag:s17] =	ssyncadd.s32 $0xFFFF8000  }
0x24a: {  	v0 =	vld [tilespmem:s20+$0x438]  }
0x24b: {  	v1 =	vld [tilespmem:s20+$0x0]  }
0x24c: {  	v2 =	vld [tilespmem:s20+$0x10]  }
0x24d: {  	v3 =	vld [tilespmem:s20+$0x20]  }
0x24e: {  	v4 =	vld [tilespmem:s20+$0x30]  }
0x24f: {  	v5 =	vld [tilespmem:s20+$0x40]  }
0x250: {  	v6 =	vld [tilespmem:s20+$0x50]  }
0x251: {  	v7 =	vld [tilespmem:s20+$0x60]  }
0x252: {  	v8 =	vld [tilespmem:s20+$0x70]  }
0x253: {  	v9 =	vld [tilespmem:s20+$0x400]  }
0x254: {  	v10 =	vld [tilespmem:s20+$0x410]  }
0x255: {  	s26 =	simm.s32 $0x0;
	v11 =	vld [tilespmem:s20+$0x420]  }
0x256: {  	v12 =	vld [tilespmem:s20+$0x430];
	s20 =	sand.u32 $0x300, s26  }
0x257: {  	s20 =	sor.u32 s20, s21  }
0x258: {  	v13 =	vld [tilespmem:s20+$0x0]  }
0x259: {  	v14 =	vld [tilespmem:s20+$0x10]  }
0x25a: {  	v52 =	vld [tilespmem:s20+$0x30]  }
0x25b: {  	v53 =	vld [tilespmem:s20+$0x40]  }
0x25c: {  	v54 =	vld [tilespmem:s20+$0x50]  }
0x25d: {  	v55 =	vld [tilespmem:s20+$0x60]  }
0x25e: {  	v56 =	vld [tilespmem:s20+$0x70]  }
0x25f: {  	v57 =	vld [tilespmem:s20+$0x400]  }
0x260: {  	v58 =	vld [tilespmem:s20+$0x410]  }
0x261: {  	v59 =	vld [tilespmem:s20+$0x420]  }
0x262: {  	v60 =	vld [tilespmem:s20+$0x430]  }
0x263: {  	v61 =	vld [tilespmem:s20+$0x438]  }
0x264: {  	v1 =	vld.idx.msk [tilespmem:v1+s4+$0x0], $0xffff  }
0x265: {  	v2 =	vld.idx.msk [tilespmem:v2+s4+$0x0], $0xffff  }
0x266: {  	v3 =	vld.idx.msk [tilespmem:v3+s4+$0x0], $0xffff  }
0x267: {  	v4 =	vld.idx.msk [tilespmem:v4+s4+$0x0], $0xffff  }
0x268: {  	v5 =	vld.idx.msk [tilespmem:v5+s4+$0x0], $0xffff  }
0x269: {  	v6 =	vld.idx.msk [tilespmem:v6+s4+$0x0], $0xffff  }
0x26a: {  	v7 =	vld.idx.msk [tilespmem:v7+s4+$0x0], $0xffff  }
0x26b: {  	v8 =	vld.idx.msk [tilespmem:v8+s4+$0x0], $0xffff  }
0x26c: {  	v9 =	vld.idx.msk [tilespmem:v9+s4+$0x0], $0xffff  }
0x26d: {  	v10 =	vld.idx.msk [tilespmem:v10+s4+$0x0], $0xffff  }
0x26e: {  	v11 =	vld.idx.msk [tilespmem:v11+s4+$0x0], $0xffff  }
0x26f: {  	v12 =	vld.idx.msk [tilespmem:v12+s4+$0x0], $0xffff  }
0x270: {  	v15 =	vld.idx.msk [tilespmem:v0+s4+$0x0], $0xffff  }
0x271: {  	v0 =	vld [tilespmem:s20+$0x20]  }
0x272: {  	v13 =	vld.idx.msk [tilespmem:v13+s4+$0x0], $0xffff  }
0x273: {  	v14 =	vld.idx.msk [tilespmem:v14+s4+$0x0], $0xffff  }
0x274: {  	v16 =	vld.idx.msk [tilespmem:v52+s4+$0x0], $0xffff  }
0x275: {  	v17 =	vld.idx.msk [tilespmem:v53+s4+$0x0], $0xffff;
	v1 =	vadd.f32 v2, v1  }
0x276: {  	v2 =	vadd.f32 v4, v3;
	v4 =	vadd.f32 v8, v7;
	v7 =	vld.idx.msk [tilespmem:v54+s4+$0x0], $0xffff  }
0x277: {  	v3 =	vadd.f32 v6, v5;
	v8 =	vld.idx.msk [tilespmem:v57+s4+$0x0], $0xffff  }
0x278: {  	v5 =	vadd.f32 v10, v9;
	v6 =	vadd.f32 v12, v11;
	v9 =	vld.idx.msk [tilespmem:v59+s4+$0x0], $0xffff  }
0x279: {  	s21 =	simm.s32 $0x200;
	v10 =	vld.idx.msk [tilespmem:v60+s4+$0x0], $0xffff;
	v1 =	vadd.f32 v2, v1  }
0x27a: {  	s22 =	simm.s32 $0x180;
	s28 =	sand.u32 $0x7800, s21;
	v11 =	vld.idx.msk [tilespmem:v61+s4+$0x0], $0xffff;
	v3 =	vadd.f32 v4, v3;
	v4 =	vadd.f32 v6, v5  }
0x27b: {  	s29 =	sand.u32 $0x380, s22;
	s23 =	sor.u32 $0x8480, s28;
	v2 =	vld.idx.msk [tilespmem:v55+s4+$0x0], $0xffff;
	v6 =	vsel vm0, $0x0, v15  }
0x27c: {  	s20 =	sadd.s32 s29, s23;
	v5 =	vld.idx.msk [tilespmem:v56+s4+$0x0], $0xffff;
	v1 =	vadd.f32 v3, v1;
	v3 =	vadd.f32 v6, v4  }
0x27d: {  	v15 =	vld [tilespmem:s20+$0x0]  }
0x27e: {  	v62 =	vld.idx.msk [tilespmem:v0+s4+$0x0], $0xffff;
	v1 =	vadd.f32 v3, v1  }
0x27f: {  	v6 =	vld.idx.msk [tilespmem:v58+s4+$0x0], $0xffff  }
0x280: {  	v0 =	vld [tilespmem:$0x400];
	(xrf2) =	vadd.scan.msk.f32 $0xffff, v1  }
0x281: {  	s30 =	simm.s32 $0x1;
	v4 =	vld [tilespmem:s20+$0x20]  }
0x282: {  	v12 =	vadd.f32 v14, v13;
	v14 =	vadd.f32 v7, v17;
	v7 =	vmov s30;
	v3 =	vld [tilespmem:s20+$0x10]  }
0x283: {  	v9 =	vadd.f32 v10, v9;
	v10 =	vadd.s32 $0x180, v7;
	v7 =	vld [tilespmem:s20+$0x50];
	v2 =	vadd.f32 v5, v2  }
0x284: {  	v5 =	vld [tilespmem:s20+$0x30];
	v13 =	vadd.f32 v16, v62;
	v8 =	vadd.f32 v6, v8  }
0x285: {  	v1 =	vld [tilespmem:s20+$0x438];
	v2 =	vadd.f32 v2, v14  }
0x286: {  	v63 =	vbroadcast v10, $0x0;
	v6 =	vld [tilespmem:s20+$0x40];
	v12 =	vadd.f32 v13, v12;
	v10 =	vadd.f32 v9, v8  }
0x287: {  	v11 =	vsel vm0, $0x0, v11;
	v8 =	vld [tilespmem:s20+$0x60]  }
0x288: {  	v9 =	vld [tilespmem:s20+$0x70];
	v2 =	vadd.f32 v2, v12;
	v12 =	vadd.f32 v11, v10  }
0x289: {  	v10 =	vld [tilespmem:s20+$0x400]  }
0x28a: {  	v11 =	vld [tilespmem:s20+$0x410];
	v2 =	vadd.f32 v12, v2;
	v13, _, _ =	vpop (xrf2)  }
0x28b: {  	s31 =	simm.s32 $0x100;
	v12 =	vld [tilespmem:s20+$0x420];
	v14 =	vadd.f32 v13, v0  }
0x28c: {  	s24 =	sand.u32 $0x300, s31;
	(xrf2) =	vadd.scan.msk.f32 $0xffff, v2;
	v2 =	vld.idx.msk [tilespmem:v15+s4+$0x0], $0xffff  }
0x28d: {  	s24 =	sor.u32 s24, s23;
	s23 =	simm.s32 $0x4;
	v13 =	vld [tilespmem:s20+$0x430];
	s20 =	simm.s32 $0x2;
	[tilespmem:v63+s16+$0x0] =	vst.idx.msk vm1, v14  }
.LBB2_8:
0x28e: {  	p0 =	slt.u32 s23, $0x7E;
	v3 =	vld.idx.msk [tilespmem:v3+s4+$0x0], $0xffff  }
0x28f: {  	v4 =	vld.idx.msk [tilespmem:v4+s4+$0x0], $0xffff  }
0x290: {  	v14 =	vmov s19;
	s19 =	smov.u32 s20;
	s20 =	smov.u32 s23;
	v5 =	vld.idx.msk [tilespmem:v5+s4+$0x0], $0xffff  }
0x291: {  	v14 =	vadd.s32 $0x180, v14;
	v6 =	vld.idx.msk [tilespmem:v6+s4+$0x0], $0xffff  }
0x292: {  	v14 =	vand.u32 $0xFFFFFFFE, v14;
	v7 =	vld.idx.msk [tilespmem:v7+s4+$0x0], $0xffff  }
0x293: {  	v14 =	vbroadcast v14, $0x0;
	v8 =	vld.idx.msk [tilespmem:v8+s4+$0x0], $0xffff  }
0x294: {  	v9 =	vld.idx.msk [tilespmem:v9+s4+$0x0], $0xffff  }
0x295: {  	v10 =	vld.idx.msk [tilespmem:v10+s4+$0x0], $0xffff  }
0x296: {  	v11 =	vld.idx.msk [tilespmem:v11+s4+$0x0], $0xffff;
	v15, _, _ =	vpop (xrf2)  }
0x297: {  	v12 =	vld.idx.msk [tilespmem:v12+s4+$0x0], $0xffff;
	v0 =	vadd.f32 v15, v0  }
0x298: {  	v13 =	vld.idx.msk [tilespmem:v13+s4+$0x0], $0xffff  }
0x299: {  	v15 =	vld [tilespmem:s24+$0x0];
	[tilespmem:v14+s16+$0x0] =	vst.idx.msk vm1, v0  }
0x29a: {  	v0 =	vld [tilespmem:s24+$0x10]  }
0x29b: {  	v1 =	vld.idx.msk [tilespmem:v1+s4+$0x0], $0xffff  }
0x29c: {  	v2 =	vadd.f32 v3, v2;
	v3 =	vadd.f32 v5, v4;
	v14 =	vld [tilespmem:s24+$0x20]  }
0x29d: {  	v5 =	vadd.f32 v7, v6;
	v6 =	vadd.f32 v9, v8;
	v4 =	vld [tilespmem:s24+$0x30]  }
0x29e: {  	v8 =	vadd.f32 v11, v10;
	v9 =	vadd.f32 v13, v12;
	v7 =	vld [tilespmem:s24+$0x40]  }
0x29f: {  	v2 =	vadd.f32 v3, v2;
	v10 =	vld [tilespmem:s24+$0x50]  }
0x2a0: {  	v5 =	vadd.f32 v6, v5;
	v6 =	vadd.f32 v9, v8;
	v3 =	vld [tilespmem:s24+$0x60]  }
0x2a1: {  	v1 =	vsel vm0, $0x0, v1;
	v8 =	vld [tilespmem:s24+$0x70]  }
0x2a2: {  	v2 =	vadd.f32 v5, v2;
	v1 =	vadd.f32 v1, v6;
	v9 =	vld [tilespmem:s24+$0x400]  }
0x2a3: {  	v5 =	vld [tilespmem:s24+$0x410]  }
0x2a4: {  	v1 =	vadd.f32 v1, v2;
	v6 =	vld [tilespmem:s24+$0x420]  }
0x2a5: {  	v2 =	vld [tilespmem:s24+$0x430]  }
0x2a6: {  	v11 =	vld [tilespmem:s24+$0x438];
	(xrf2) =	vadd.scan.msk.f32 $0xffff, v1  }
0x2a7: {  	v1 =	vld.idx.msk [tilespmem:v15+s4+$0x0], $0xffff  }
0x2a8: {  	v12 =	vld.idx.msk [tilespmem:v0+s4+$0x0], $0xffff  }
0x2a9: {  	v13 =	vld.idx.msk [tilespmem:v14+s4+$0x0], $0xffff  }
0x2aa: {  	s24 =	sadd.s32 $0x1, s19;
	v4 =	vld.idx.msk [tilespmem:v4+s4+$0x0], $0xffff  }
0x2ab: {  	v14 =	vmov s24;
	v7 =	vld.idx.msk [tilespmem:v7+s4+$0x0], $0xffff  }
0x2ac: {  	v14 =	vadd.s32 $0x180, v14;
	v0 =	vld [tilespmem:$0x400]  }
0x2ad: {  	v14 =	vbroadcast v14, $0x0;
	v10 =	vld.idx.msk [tilespmem:v10+s4+$0x0], $0xffff  }
0x2ae: {  	v1 =	vadd.f32 v12, v1;
	v3 =	vld.idx.msk [tilespmem:v3+s4+$0x0], $0xffff  }
0x2af: {  	v8 =	vld.idx.msk [tilespmem:v8+s4+$0x0], $0xffff  }
0x2b0: {  	v4 =	vadd.f32 v4, v13;
	v9 =	vld.idx.msk [tilespmem:v9+s4+$0x0], $0xffff;
	v12, _, _ =	vpop (xrf2)  }
0x2b1: {  	s21 =	sadd.s32 $0x200, s21;
	v5 =	vld.idx.msk [tilespmem:v5+s4+$0x0], $0xffff;
	v12 =	vadd.f32 v12, v0  }
0x2b2: {  	s22 =	sadd.s32 $0x100, s22;
	s24 =	sand.u32 $0x7800, s21;
	v13 =	vadd.f32 v4, v1;
	v6 =	vld.idx.msk [tilespmem:v6+s4+$0x0], $0xffff  }
0x2b3: {  	s25 =	sadd.s32 $0xFFFFFF80, s22;
	s26 =	sand.u32 $0x380, s22;
	s24 =	sor.u32 $0x8480, s24;
	v4 =	vadd.f32 v10, v7;
	v2 =	vld.idx.msk [tilespmem:v2+s4+$0x0], $0xffff;
	[tilespmem:v14+s16+$0x0] =	vst.idx.msk vm1, v12  }
0x2b4: {  	s25 =	sand.u32 $0x300, s25;
	s26 =	sadd.s32 s26, s24;
	v7 =	vld.idx.msk [tilespmem:v11+s4+$0x0], $0xffff  }
0x2b5: {  	s24 =	sor.u32 s25, s24;
	v8 =	vadd.f32 v8, v3;
	v1 =	vld [tilespmem:s26+$0x438]  }
0x2b6: {  	v14 =	vld [tilespmem:s26+$0x0]  }
0x2b7: {  	v9 =	vadd.f32 v5, v9;
	v8 =	vadd.f32 v8, v4;
	v3 =	vld [tilespmem:s26+$0x10]  }
0x2b8: {  	v4 =	vld [tilespmem:s26+$0x20]  }
0x2b9: {  	v2 =	vadd.f32 v2, v6;
	v12 =	vadd.f32 v8, v13;
	v5 =	vld [tilespmem:s26+$0x30]  }
0x2ba: {  	v10 =	vsel vm0, $0x0, v7;
	v6 =	vld [tilespmem:s26+$0x40]  }
0x2bb: {  	v2 =	vadd.f32 v2, v9;
	v7 =	vld [tilespmem:s26+$0x50]  }
0x2bc: {  	v8 =	vld [tilespmem:s26+$0x60]  }
0x2bd: {  	v2 =	vadd.f32 v10, v2;
	v9 =	vld [tilespmem:s26+$0x70]  }
.Ltmp3:
0x2be: {  	v10 =	vld [tilespmem:s26+$0x400];
	(pc) =	sbr.rel @p0 .LBB2_8-.Ltmp3, $4  }
0x2bf: {  	v2 =	vadd.f32 v2, v12;
	v11 =	vld [tilespmem:s26+$0x410]  }
0x2c0: {  	v12 =	vld [tilespmem:s26+$0x420]  }
0x2c1: {  	v13 =	vld [tilespmem:s26+$0x430];
	(xrf2) =	vadd.scan.msk.f32 $0xffff, v2  }
0x2c2: {  	s23 =	sadd.s32 $0x2, s23;
	v2 =	vld.idx.msk [tilespmem:v14+s4+$0x0], $0xffff  }
0x2c3: {  	_ =	sdelay $0x3  }
0x2c4: {  	v3 =	vld.idx.msk [tilespmem:v3+s4+$0x0], $0xffff  }
0x2c5: {  	v4 =	vld.idx.msk [tilespmem:v4+s4+$0x0], $0xffff  }
0x2c6: {  	v5 =	vld.idx.msk [tilespmem:v5+s4+$0x0], $0xffff  }
0x2c7: {  	v6 =	vld.idx.msk [tilespmem:v6+s4+$0x0], $0xffff  }
0x2c8: {  	v7 =	vld.idx.msk [tilespmem:v7+s4+$0x0], $0xffff  }
0x2c9: {  	v8 =	vld.idx.msk [tilespmem:v8+s4+$0x0], $0xffff  }
0x2ca: {  	v9 =	vld.idx.msk [tilespmem:v9+s4+$0x0], $0xffff  }
0x2cb: {  	v10 =	vld.idx.msk [tilespmem:v10+s4+$0x0], $0xffff  }
0x2cc: {  	v14 =	vld [tilespmem:s24+$0x0]  }
0x2cd: {  	v15 =	vld [tilespmem:s24+$0x10]  }
0x2ce: {  	v16 =	vld [tilespmem:s24+$0x20]  }
0x2cf: {  	v17 =	vld [tilespmem:s24+$0x30]  }
0x2d0: {  	v18 =	vld [tilespmem:s24+$0x40]  }
0x2d1: {  	v19 =	vld [tilespmem:s24+$0x50]  }
0x2d2: {  	v20 =	vld [tilespmem:s24+$0x60]  }
0x2d3: {  	v21 =	vld [tilespmem:s24+$0x70]  }
0x2d4: {  	v22 =	vld [tilespmem:s24+$0x400]  }
0x2d5: {  	v23 =	vld [tilespmem:s24+$0x410]  }
0x2d6: {  	v24 =	vld [tilespmem:s24+$0x420]  }
0x2d7: {  	v25 =	vld [tilespmem:s24+$0x430]  }
0x2d8: {  	v26 =	vld [tilespmem:s24+$0x438]  }
0x2d9: {  	v11 =	vld.idx.msk [tilespmem:v11+s4+$0x0], $0xffff  }
0x2da: {  	v12 =	vld.idx.msk [tilespmem:v12+s4+$0x0], $0xffff  }
0x2db: {  	v13 =	vld.idx.msk [tilespmem:v13+s4+$0x0], $0xffff  }
0x2dc: {  	v14 =	vld.idx.msk [tilespmem:v14+s4+$0x0], $0xffff  }
0x2dd: {  	v15 =	vld.idx.msk [tilespmem:v15+s4+$0x0], $0xffff  }
0x2de: {  	v16 =	vld.idx.msk [tilespmem:v16+s4+$0x0], $0xffff  }
0x2df: {  	v17 =	vld.idx.msk [tilespmem:v17+s4+$0x0], $0xffff  }
0x2e0: {  	v18 =	vld.idx.msk [tilespmem:v18+s4+$0x0], $0xffff  }
0x2e1: {  	v19 =	vld.idx.msk [tilespmem:v19+s4+$0x0], $0xffff  }
0x2e2: {  	v20 =	vld.idx.msk [tilespmem:v20+s4+$0x0], $0xffff  }
0x2e3: {  	v21 =	vld.idx.msk [tilespmem:v21+s4+$0x0], $0xffff  }
0x2e4: {  	v22 =	vld.idx.msk [tilespmem:v22+s4+$0x0], $0xffff  }
0x2e5: {  	v23 =	vld.idx.msk [tilespmem:v23+s4+$0x0], $0xffff  }
0x2e6: {  	v2 =	vadd.f32 v3, v2;
	v37 =	vadd.f32 v5, v4;
	v38 =	vld.idx.msk [tilespmem:v24+s4+$0x0], $0xffff  }
0x2e7: {  	v39 =	vadd.f32 v7, v6;
	v40 =	vadd.f32 v9, v8;
	v41 =	vld.idx.msk [tilespmem:v25+s4+$0x0], $0xffff  }
0x2e8: {  	v42 =	vadd.f32 v11, v10;
	v2 =	vadd.f32 v37, v2  }
0x2e9: {  	v1 =	vld.idx.msk [tilespmem:v1+s4+$0x0], $0xffff;
	v44 =	vadd.f32 v40, v39;
	v43 =	vadd.f32 v13, v12  }
0x2ea: {  	v47 =	vld.idx.msk [tilespmem:v26+s4+$0x0], $0xffff;
	v45 =	vadd.f32 v15, v14;
	v46 =	vadd.f32 v17, v16  }
0x2eb: {  	v48 =	vadd.f32 v19, v18;
	v49 =	vadd.f32 v21, v20  }
0x2ec: {  	v50 =	vadd.f32 v23, v22;
	v4 =	vadd.f32 v41, v38  }
0x2ed: {  	v51 =	vadd.f32 v43, v42;
	v5 =	vadd.f32 v46, v45  }
0x2ee: {  	v1 =	vsel vm0, $0x0, v1;
	v52 =	vadd.f32 v49, v48;
	v4 =	vadd.f32 v4, v50  }
0x2ef: {  	v2 =	vadd.f32 v44, v2;
	v1 =	vadd.f32 v1, v51;
	v53 =	vsel vm0, $0x0, v47  }
0x2f0: {  	v5 =	vadd.f32 v52, v5;
	v3 =	vadd.f32 v53, v4  }
0x2f1: {  	v1 =	vadd.f32 v1, v2  }
0x2f2: {  	v54 =	vadd.f32 v3, v5  }
0x2f3: {  	(xrf2) =	vadd.scan.msk.f32 $0xffff, v1  }
0x2f4: {  	(xrf2) =	vadd.scan.msk.f32 $0xffff, v54;
	_ =	sdelay $0x1  }
0x2f5: {  	v55 =	vmov s19  }
0x2f6: {  	s31 =	sadd.s32 $0x1, s20;
	v1 =	vadd.s32 $0x180, v55  }
0x2f7: {  	v57 =	vmov s20;
	v56 =	vmov s31;
	v1 =	vand.u32 $0xFFFFFFFE, v1  }
0x2f8: {  	v58 =	vld [tilespmem:$0x400];
	v2 =	vadd.s32 $0x180, v56;
	v1 =	vbroadcast v1, $0x0;
	v3 =	vadd.s32 $0x180, v57  }
0x2f9: {  	v2 =	vbroadcast v2, $0x0;
	v3 =	vand.u32 $0xFFFFFFFE, v3  }
0x2fa: {  	v3 =	vbroadcast v3, $0x0  }
0x2fb: {  	v59, _, _ =	vpop (xrf2)  }
0x2fc: {  	v0 =	vadd.f32 v59, v0;
	v60, _, _ =	vpop (xrf2)  }
0x2fd: {  	v61 =	vadd.f32 v60, v58;
	v62, _, _ =	vpop (xrf2)  }
0x2fe: {  	s18 =	sadd.s32 $0x1, s18;
	[tilespmem:v1+s16+$0x0] =	vst.idx.msk vm1, v0;
	v63 =	vadd.f32 v62, v58  }
0x2ff: {  	p0 =	sne.s32 s18, s10;
	[tilespmem:v2+s16+$0x0] =	vst.idx.msk vm1, v61  }
.Ltmp4:
0x300: {  	[tilespmem:v3+s16+$0x0] =	vst.idx.msk vm1, v63;
	(pc) =	sbr.rel @p0 .LBB2_1-.Ltmp4, $4  }
0x301: {  	[hbm4b:s9+s4] =	stream.linear.scatter [tilespmem:s16], [sflag:$0x3], $0x200, $0x38;
	[tilespmem:$0x10680] =	vst v63  }
0x302: {  	_ =	swait.ge [sflag:s11], $0x200  }
0x303: {  	[sflag:s11] =	ssyncset.done $0x0  }
0x304: {  	[sflag:s11] =	ssyncadd.s32 $0xFFFFFE00  }
0x305: {  	_ =	sfence.sel $0x180000  }
0x306: {  	[bflag:$0x0] =	sbarrier.arrive $0xFFFF  }
0x307: {  	p0 =	sne.s32 s1, $0x0;
	_ =	strace $0x90000047  }
0x308: {  	s0 =	sadd.s32 @!p0 $0x100000, s0;
	[bflag:$0x2] =	sbarrier.arrive $0xFFFF  }
0x309: {  	[sflag:s0] =	ssyncadd.tile.s32 @!p0 $0x1;
	_ =	shalt  }
.Lfunc_end2:
_tile_overlayer_lowered:
.L_overlay_start_2:
0x30a: {  	(tag) =	ssettag $0x2  }
0x30b: {  	s0 =	rddreg [dreg:$0x0];
	s2 =	stileid.u32  }
0x30c: {  	s1 =	rddreg [dreg:$0x1];
	p0 =	sne.s32 s2, $0x0  }
0x30d: {  	s3 =	rddreg [dreg:$0x2];
	[bflag:$0x3] =	sbarrier.arrive $0xFFFF;
	s2 =	simm.s32 @!p0 $0x1C03  }
0x30e: {  	[timem:s3], [sflag:s2] =	dma.local @!p0 [hbm:s0], s1  }
0x30f: {  	s0 =	simm.s32 @!p0 $0x3  }
0x310: {  	_ =	swait.ge @!p0 [sflag:s0], s1  }
0x311: {  	s1 =	ssub.s32 @!p0 $0x0, s1;
	[sflag:s0] =	ssyncset.done @!p0 $0x0  }
0x312: {  	[sflag:s0] =	ssyncadd.s32 @!p0 s1  }
0x313: {  	[bflag:$0x3] =	sbarrier.arrive $0xFFFF  }
0x314: {  	_ =	shalt  }

</sc_bundles>
